<compile_context>
chip_gen: v7x
topology: tpu7x:2x2x1
jax: 0.10.2.dev20260603
libtpu: 0.0.44.dev20260713+nightly
codegen_flags: <defaults>
</compile_context>

<pallas_src>
import functools

import jax
import jax.numpy as jnp
from jax import lax
from jax.experimental import pallas as pl
from jax.experimental.pallas import tpu as pltpu
from jax.experimental.pallas import tpu_sc as plsc

B, V = 64, 100000
NEG_BIG = -3.0e38

SC_T0 = 600
SC_NT = 180
V_TC = SC_T0 * 128
V_SC_END = (SC_T0 + SC_NT) * 128


TCW = 7680
TC_STEPS = V_TC // TCW


def _tc_kernel(x_ref, a_ref, m_out, s_out, d_out, n_out, m_sc, s_sc, d_sc, n_sc):
    i = pl.program_id(0)

    @pl.when(i == 0)
    def _init():
        m_sc[...] = jnp.full_like(m_sc, NEG_BIG)
        s_sc[...] = jnp.zeros_like(s_sc)
        d_sc[...] = jnp.zeros_like(d_sc)
        n_sc[...] = jnp.zeros_like(n_sc)

    x = x_ref[...]
    a = a_ref[...]
    m_old = m_sc[...]
    m_new = jnp.maximum(m_old, jnp.max(x, axis=1, keepdims=True))
    s_sc[...] = s_sc[...] * jnp.exp(m_old - m_new) + jnp.sum(
        jnp.exp(x - m_new), axis=1, keepdims=True
    )
    m_sc[...] = m_new
    d_sc[...] += jnp.sum(a * x, axis=1, keepdims=True)
    n_sc[...] += jnp.sum(a, axis=1, keepdims=True)

    @pl.when(i == TC_STEPS - 1)
    def _fin():
        m_out[...] = m_sc[...]
        s_out[...] = s_sc[...]
        d_out[...] = d_sc[...]
        n_out[...] = n_sc[...]


def _tc_partials(logits, actions):
    return pl.pallas_call(
        _tc_kernel,
        grid=(TC_STEPS,),
        in_specs=[
            pl.BlockSpec((B, TCW), lambda i: (0, i)),
            pl.BlockSpec((B, TCW), lambda i: (0, i)),
        ],
        out_specs=[pl.BlockSpec((B, 1), lambda i: (0, 0))] * 4,
        out_shape=[jax.ShapeDtypeStruct((B, 1), jnp.float32)] * 4,
        scratch_shapes=[pltpu.VMEM((B, 1), jnp.float32)] * 4,
    )(logits, actions)



NC, NS, L = 2, 16, 16
NW = NC * NS
TR = 8
CS = NW // TR
TPW = SC_NT // CS
CT = 15
NCH = TPW // CT
CW = CT * 128
NBUF = 3


@functools.partial(
    pl.kernel,
    out_type=[jax.ShapeDtypeStruct((NW * TR, L), jnp.float32)] * 4,
    mesh=plsc.VectorSubcoreMesh(core_axis_name="c", subcore_axis_name="s"),
    compiler_params=pltpu.CompilerParams(use_tc_tiling_on_sc=True),
    scratch_types=[
        pltpu.VMEM((TR, CW), jnp.float32),
        pltpu.VMEM((TR, CW), jnp.float32),
        pltpu.VMEM((TR, CW), jnp.float32),
        pltpu.VMEM((TR, CW), jnp.float32),
        pltpu.VMEM((TR, CW), jnp.float32),
        pltpu.VMEM((TR, CW), jnp.float32),
        pltpu.VMEM((TR, L), jnp.float32),
        pltpu.SemaphoreType.DMA,
        pltpu.SemaphoreType.DMA,
        pltpu.SemaphoreType.DMA,
        pltpu.SemaphoreType.DMA,
        pltpu.SemaphoreType.DMA,
        pltpu.SemaphoreType.DMA,
    ],
)
def _sc_partials(
    log_hbm, act_hbm, m_out, s_out, d_out, n_out,
    xb0, xb1, xb2, ab0, ab1, ab2, stage, sx0, sx1, sx2, sa0, sa1, sa2,
):
    wid = lax.axis_index("s") * NC + lax.axis_index("c")
    rtile = wid % TR
    cslab = wid // TR
    row0 = rtile * TR
    xbufs, abufs = (xb0, xb1, xb2), (ab0, ab1, ab2)
    sxs, sas = (sx0, sx1, sx2), (sa0, sa1, sa2)

    def start(k):
        col0 = (SC_T0 + cslab * TPW + k * CT) * 128
        cx = pltpu.async_copy(
            log_hbm.at[pl.ds(row0, TR), pl.ds(col0, CW)], xbufs[k % NBUF], sxs[k % NBUF]
        )
        ca = pltpu.async_copy(
            act_hbm.at[pl.ds(row0, TR), pl.ds(col0, CW)], abufs[k % NBUF], sas[k % NBUF]
        )
        return cx, ca

    m8 = [jnp.full((L,), NEG_BIG, jnp.float32) for _ in range(TR)]
    s8 = [jnp.zeros((L,), jnp.float32) for _ in range(TR)]
    d8 = [jnp.zeros((L,), jnp.float32) for _ in range(TR)]
    n8 = [jnp.zeros((L,), jnp.float32) for _ in range(TR)]

    ring = [start(0), start(1)]
    for k in range(NCH):
        if k + 2 < NCH:
            ring.append(start(k + 2))
        cur = ring.pop(0)
        cur[0].wait()
        cur[1].wait()
        xb, ab = xbufs[k % NBUF], abufs[k % NBUF]

        def maxbody(j, carry, xb=xb):
            return tuple(
                jnp.maximum(carry[r], xb[r, pl.ds(j * L, L)]) for r in range(TR)
            )

        m8_new = list(lax.fori_loop(0, CW // L, maxbody, tuple(m8)))
        for r in range(TR):
            s8[r] = s8[r] * jnp.exp(m8[r] - m8_new[r])
        m8 = m8_new

        def accbody(j, carry, xb=xb, ab=ab, m8=tuple(m8)):
            s, d, n = carry
            s, d, n = list(s), list(d), list(n)
            for r in range(TR):
                x = xb[r, pl.ds(j * L, L)]
                a = ab[r, pl.ds(j * L, L)]
                s[r] = s[r] + jnp.exp(x - m8[r])
                d[r] = d[r] + a * x
                n[r] = n[r] + a
            return tuple(s), tuple(d), tuple(n)

        s8, d8, n8 = lax.fori_loop(
            0, CW // L, accbody, (tuple(s8), tuple(d8), tuple(n8))
        )
        s8, d8, n8 = list(s8), list(d8), list(n8)

    for vecs, out in ((m8, m_out), (s8, s_out), (d8, d_out), (n8, n_out)):
        for r in range(TR):
            stage[r, pl.ds(0, L)] = vecs[r]
        pltpu.sync_copy(stage, out.at[pl.ds(wid * TR, TR), pl.ds(0, L)])




TAILW = 256
TAIL_BLK = V_SC_END // TAILW


def _merge_kernel(
    xt_ref, at_ref, m4_ref, s4_ref, d4_ref, n4_ref, mt_ref, st_ref, dt_ref,
    nt_ref, a01_ref, o_ref
):
    xt = xt_ref[...]
    at = at_ref[...]
    colmask = V_SC_END + lax.broadcasted_iota(jnp.int32, xt.shape, 1) < V
    xm = jnp.where(colmask, xt, NEG_BIG)
    am = jnp.where(colmask, at, 0.0)

    m_all = jnp.maximum(mt_ref[...], jnp.max(xm, axis=1, keepdims=True))
    mp = []
    for c in range(CS):
        p = m4_ref[pl.ds(c * B, B), :]
        mp.append(p)
        m_all = jnp.maximum(m_all, jnp.max(p, axis=1, keepdims=True))
    s_all = st_ref[...] * jnp.exp(mt_ref[...] - m_all) + jnp.sum(
        jnp.exp(xm - m_all), axis=1, keepdims=True
    )
    d = dt_ref[...] + jnp.sum(am * xt, axis=1, keepdims=True)
    n = nt_ref[...] + jnp.sum(am, axis=1, keepdims=True)
    for c in range(CS):
        s_all += jnp.sum(
            s4_ref[pl.ds(c * B, B), :] * jnp.exp(mp[c] - m_all),
            axis=1, keepdims=True,
        )
        d += jnp.sum(d4_ref[pl.ds(c * B, B), :], axis=1, keepdims=True)
        n += jnp.sum(n4_ref[pl.ds(c * B, B), :], axis=1, keepdims=True)
    lse = m_all + jnp.log(s_all)
    a0 = a01_ref[0]
    a1 = a01_ref[1]
    o_ref[...] = a1 + d - n * lse - (a0 * (V - n) + a1 * n)


def _merge(logits, actions, m4, s4, d4, n4, m_tc, s_tc, d_tc, n_tc, a01):
    return pl.pallas_call(
        _merge_kernel,
        grid=(1,),
        in_specs=[
            pl.BlockSpec((B, TAILW), lambda i: (0, TAIL_BLK)),
            pl.BlockSpec((B, TAILW), lambda i: (0, TAIL_BLK)),
        ]
        + [pl.BlockSpec(memory_space=pltpu.VMEM)] * 8
        + [pl.BlockSpec(memory_space=pltpu.SMEM)],
        out_specs=pl.BlockSpec((B, 1), lambda i: (0, 0)),
        out_shape=jax.ShapeDtypeStruct((B, 1), jnp.float32),
    )(logits, actions, m4, s4, d4, n4, m_tc, s_tc, d_tc, n_tc, a01)




def kernel(logits, actions):
    from jax.scipy.special import gammaln

    m_tc, s_tc, d_tc, n_tc = _tc_partials(logits, actions)
    m4, s4, d4, n4 = _sc_partials(logits, actions)
    rt_zero = jnp.minimum(s_tc[0, 0], jnp.float32(0.0))
    a01 = gammaln(jnp.stack([1.0 + rt_zero, 2.0 + rt_zero]).astype(jnp.float32))
    return _merge(logits, actions, m4, s4, d4, n4, m_tc, s_tc, d_tc, n_tc, a01)

# --- scband reference (transcript-rebuilt; emitter-appended) ---
"""Pipeline reference for scband-fixed-multinomial-42528766165799 (READ-ONLY COPY).

The authoritative reference and input builder live on the scoring server;
editing this copy changes nothing except your own understanding.
"""

import jax, jax.numpy as jnp
import numpy as np
from jax.scipy.special import gammaln, logsumexp

B, V = 64, 100000
TOTAL_COUNT = 1

def setup_inputs(seed: int = 0) -> dict:
    key = jax.random.key(seed)
    k1, k2 = jax.random.split(key)
    logits = jax.random.normal(k1, (B, V), dtype=jnp.float32)
    # actions are one-hot count vectors (total_count=1 multinomial draws)
    idx = jax.random.randint(k2, (B,), 0, V)
    actions = jnp.zeros((B, V), dtype=jnp.float32).at[jnp.arange(B), idx].set(float(TOTAL_COUNT))
    return {"logits": logits, "actions": actions}

def reference(logits, actions):
    # Faithful port of FixedMultinomial.log_probs (torch.distributions.Multinomial.log_prob)
    # torch normalizes logits at construction: logits - logsumexp(logits)
    logp = logits - logsumexp(logits, axis=-1, keepdims=True)
    # Multinomial log_prob: lgamma(n+1) + sum_i (x_i * logp_i - lgamma(x_i + 1))
    log_prob = gammaln(jnp.asarray(TOTAL_COUNT + 1, logits.dtype)) + jnp.sum(
        actions * logp - gammaln(actions + 1.0), axis=-1
    )
    batch_size = actions.shape[0]
    # log_probs = log_prob.view(batch_size, -1).sum(-1).unsqueeze(-1)
    return log_prob.reshape(batch_size, -1).sum(-1)[:, None]

if __name__ == "__main__":
    import jax
    _d = setup_inputs()
    print(jax.jit(kernel)(*tuple(_d.values())))

</pallas_src>

<mosaic_0001>
#map = affine_map<(d0, d1) -> (0, 0)>
module attributes {stable_mosaic.version = 14 : i64} {
  func.func @_sc_partials(%arg0: i32, %arg1: i32, %arg2: memref<64x100000xf32, #tpu.memory_space<hbm>>, %arg3: memref<64x100000xf32, #tpu.memory_space<hbm>>, %arg4: memref<256x16xf32, #tpu.memory_space<hbm>>, %arg5: memref<256x16xf32, #tpu.memory_space<hbm>>, %arg6: memref<256x16xf32, #tpu.memory_space<hbm>>, %arg7: memref<256x16xf32, #tpu.memory_space<hbm>>, %arg8: memref<8x1920xf32, #tpu.memory_space<vmem>>, %arg9: memref<8x1920xf32, #tpu.memory_space<vmem>>, %arg10: memref<8x1920xf32, #tpu.memory_space<vmem>>, %arg11: memref<8x1920xf32, #tpu.memory_space<vmem>>, %arg12: memref<8x1920xf32, #tpu.memory_space<vmem>>, %arg13: memref<8x1920xf32, #tpu.memory_space<vmem>>, %arg14: memref<8x16xf32, #tpu.memory_space<vmem>>, %arg15: memref<!tpu.dma_semaphore, #tpu.memory_space<semaphore_mem>>, %arg16: memref<!tpu.dma_semaphore, #tpu.memory_space<semaphore_mem>>, %arg17: memref<!tpu.dma_semaphore, #tpu.memory_space<semaphore_mem>>, %arg18: memref<!tpu.dma_semaphore, #tpu.memory_space<semaphore_mem>>, %arg19: memref<!tpu.dma_semaphore, #tpu.memory_space<semaphore_mem>>, %arg20: memref<!tpu.dma_semaphore, #tpu.memory_space<semaphore_mem>>) attributes {dimension_semantics = [#tpu.dimension_semantics<core_parallel>, #tpu.dimension_semantics<subcore_parallel>], iteration_bounds = array<i64: 2, 16>, scalar_prefetch = 0 : i64, scratch_operands = 13 : i64, tpu.core_type = #tpu.core_type<sc_vector_subcore>, window_params = [{transform_indices = #map}, {transform_indices = #map}, {transform_indices = #map}, {transform_indices = #map}, {transform_indices = #map}, {transform_indices = #map}]} {
    %mul3A = arith.constant 2 : i32
    %mul3A_0 = arith.muli %arg1, %mul3A : i32
    %add3A = arith.addi %mul3A_0, %arg0 : i32
    %jit3A = arith.constant 8 : i32
    %eq3A = arith.constant 0 : i32
    %eq3A_1 = arith.cmpi eq, %jit3A, %eq3A : i32
    %jit3A_2 = arith.constant 1 : i32
    %select_n3A = arith.select %eq3A_1, %jit3A_2, %jit3A : i32
    %rem3A = arith.remsi %add3A, %select_n3A : i32
    %ne3A = arith.constant 0 : i32
    %ne3A_3 = arith.cmpi ne, %rem3A, %ne3A : i32
    %lt3A = arith.constant 0 : i32
    %lt3A_4 = arith.cmpi slt, %rem3A, %lt3A : i32
    %lt3A_5 = arith.constant 0 : i32
    %lt3A_6 = arith.cmpi slt, %select_n3A, %lt3A_5 : i32
    %ne3A_7 = arith.xori %lt3A_4, %lt3A_6 : i1
    %and3A = arith.andi %ne3A_7, %ne3A_3 : i1
    %add3A_8 = arith.addi %rem3A, %select_n3A : i32
    %select_n3A_9 = arith.select %and3A, %add3A_8, %rem3A : i32
    %jit3A_10 = arith.constant 8 : i32
    %div3A = arith.divsi %add3A, %jit3A_10 : i32
    %sign3A = arith.constant 0 : i32
    %sign3A_11 = arith.cmpi sgt, %add3A, %sign3A : i32
    %sign3A_12 = arith.extui %sign3A_11 : i1 to i32
    %sign3A_13 = arith.constant 0 : i32
    %sign3A_14 = arith.cmpi slt, %add3A, %sign3A_13 : i32
    %sign3A_15 = arith.extui %sign3A_14 : i1 to i32
    %sign3A_16 = arith.subi %sign3A_12, %sign3A_15 : i32
    %sign3A_17 = arith.constant 0 : i32
    %sign3A_18 = arith.cmpi sgt, %jit3A_10, %sign3A_17 : i32
    %sign3A_19 = arith.extui %sign3A_18 : i1 to i32
    %sign3A_20 = arith.constant 0 : i32
    %sign3A_21 = arith.cmpi slt, %jit3A_10, %sign3A_20 : i32
    %sign3A_22 = arith.extui %sign3A_21 : i1 to i32
    %sign3A_23 = arith.subi %sign3A_19, %sign3A_22 : i32
    %ne3A_24 = arith.cmpi ne, %sign3A_16, %sign3A_23 : i32
    %rem3A_25 = arith.remsi %add3A, %jit3A_10 : i32
    %ne3A_26 = arith.constant 0 : i32
    %ne3A_27 = arith.cmpi ne, %rem3A_25, %ne3A_26 : i32
    %and3A_28 = arith.andi %ne3A_24, %ne3A_27 : i1
    %sub3A = arith.constant 1 : i32
    %sub3A_29 = arith.subi %div3A, %sub3A : i32
    %select_n3A_30 = arith.select %and3A_28, %sub3A_29, %div3A : i32
    %mul3A_31 = arith.constant 8 : i32
    %mul3A_32 = arith.muli %select_n3A_9, %mul3A_31 : i32
    %broadcast_in_dim3A = arith.constant -3.000000e+38 : f32
    %broadcast_in_dim3A_33 = vector.broadcast %broadcast_in_dim3A : f32 to vector<16xf32>
    %broadcast_in_dim3A_34 = arith.constant -3.000000e+38 : f32
    %broadcast_in_dim3A_35 = vector.broadcast %broadcast_in_dim3A_34 : f32 to vector<16xf32>
    %broadcast_in_dim3A_36 = arith.constant -3.000000e+38 : f32
    %broadcast_in_dim3A_37 = vector.broadcast %broadcast_in_dim3A_36 : f32 to vector<16xf32>
    %broadcast_in_dim3A_38 = arith.constant -3.000000e+38 : f32
    %broadcast_in_dim3A_39 = vector.broadcast %broadcast_in_dim3A_38 : f32 to vector<16xf32>
    %broadcast_in_dim3A_40 = arith.constant -3.000000e+38 : f32
    %broadcast_in_dim3A_41 = vector.broadcast %broadcast_in_dim3A_40 : f32 to vector<16xf32>
    %broadcast_in_dim3A_42 = arith.constant -3.000000e+38 : f32
    %broadcast_in_dim3A_43 = vector.broadcast %broadcast_in_dim3A_42 : f32 to vector<16xf32>
    %broadcast_in_dim3A_44 = arith.constant -3.000000e+38 : f32
    %broadcast_in_dim3A_45 = vector.broadcast %broadcast_in_dim3A_44 : f32 to vector<16xf32>
    %broadcast_in_dim3A_46 = arith.constant -3.000000e+38 : f32
    %broadcast_in_dim3A_47 = vector.broadcast %broadcast_in_dim3A_46 : f32 to vector<16xf32>
    %broadcast_in_dim3A_48 = arith.constant 0.000000e+00 : f32
    %broadcast_in_dim3A_49 = vector.broadcast %broadcast_in_dim3A_48 : f32 to vector<16xf32>
    %broadcast_in_dim3A_50 = arith.constant 0.000000e+00 : f32
    %broadcast_in_dim3A_51 = vector.broadcast %broadcast_in_dim3A_50 : f32 to vector<16xf32>
    %broadcast_in_dim3A_52 = arith.constant 0.000000e+00 : f32
    %broadcast_in_dim3A_53 = vector.broadcast %broadcast_in_dim3A_52 : f32 to vector<16xf32>
    %broadcast_in_dim3A_54 = arith.constant 0.000000e+00 : f32
    %broadcast_in_dim3A_55 = vector.broadcast %broadcast_in_dim3A_54 : f32 to vector<16xf32>
    %broadcast_in_dim3A_56 = arith.constant 0.000000e+00 : f32
    %broadcast_in_dim3A_57 = vector.broadcast %broadcast_in_dim3A_56 : f32 to vector<16xf32>
    %broadcast_in_dim3A_58 = arith.constant 0.000000e+00 : f32
    %broadcast_in_dim3A_59 = vector.broadcast %broadcast_in_dim3A_58 : f32 to vector<16xf32>
    %broadcast_in_dim3A_60 = arith.constant 0.000000e+00 : f32
    %broadcast_in_dim3A_61 = vector.broadcast %broadcast_in_dim3A_60 : f32 to vector<16xf32>
    %broadcast_in_dim3A_62 = arith.constant 0.000000e+00 : f32
    %broadcast_in_dim3A_63 = vector.broadcast %broadcast_in_dim3A_62 : f32 to vector<16xf32>
    %broadcast_in_dim3A_64 = arith.constant 0.000000e+00 : f32
    %broadcast_in_dim3A_65 = vector.broadcast %broadcast_in_dim3A_64 : f32 to vector<16xf32>
    %broadcast_in_dim3A_66 = arith.constant 0.000000e+00 : f32
    %broadcast_in_dim3A_67 = vector.broadcast %broadcast_in_dim3A_66 : f32 to vector<16xf32>
    %broadcast_in_dim3A_68 = arith.constant 0.000000e+00 : f32
    %broadcast_in_dim3A_69 = vector.broadcast %broadcast_in_dim3A_68 : f32 to vector<16xf32>
    %broadcast_in_dim3A_70 = arith.constant 0.000000e+00 : f32
    %broadcast_in_dim3A_71 = vector.broadcast %broadcast_in_dim3A_70 : f32 to vector<16xf32>
    %broadcast_in_dim3A_72 = arith.constant 0.000000e+00 : f32
    %broadcast_in_dim3A_73 = vector.broadcast %broadcast_in_dim3A_72 : f32 to vector<16xf32>
    %broadcast_in_dim3A_74 = arith.constant 0.000000e+00 : f32
    %broadcast_in_dim3A_75 = vector.broadcast %broadcast_in_dim3A_74 : f32 to vector<16xf32>
    %broadcast_in_dim3A_76 = arith.constant 0.000000e+00 : f32
    %broadcast_in_dim3A_77 = vector.broadcast %broadcast_in_dim3A_76 : f32 to vector<16xf32>
    %broadcast_in_dim3A_78 = arith.constant 0.000000e+00 : f32
    %broadcast_in_dim3A_79 = vector.broadcast %broadcast_in_dim3A_78 : f32 to vector<16xf32>
    %broadcast_in_dim3A_80 = arith.constant 0.000000e+00 : f32
    %broadcast_in_dim3A_81 = vector.broadcast %broadcast_in_dim3A_80 : f32 to vector<16xf32>
    %broadcast_in_dim3A_82 = arith.constant 0.000000e+00 : f32
    %broadcast_in_dim3A_83 = vector.broadcast %broadcast_in_dim3A_82 : f32 to vector<16xf32>
    %broadcast_in_dim3A_84 = arith.constant 0.000000e+00 : f32
    %broadcast_in_dim3A_85 = vector.broadcast %broadcast_in_dim3A_84 : f32 to vector<16xf32>
    %broadcast_in_dim3A_86 = arith.constant 0.000000e+00 : f32
    %broadcast_in_dim3A_87 = vector.broadcast %broadcast_in_dim3A_86 : f32 to vector<16xf32>
    %broadcast_in_dim3A_88 = arith.constant 0.000000e+00 : f32
    %broadcast_in_dim3A_89 = vector.broadcast %broadcast_in_dim3A_88 : f32 to vector<16xf32>
    %broadcast_in_dim3A_90 = arith.constant 0.000000e+00 : f32
    %broadcast_in_dim3A_91 = vector.broadcast %broadcast_in_dim3A_90 : f32 to vector<16xf32>
    %broadcast_in_dim3A_92 = arith.constant 0.000000e+00 : f32
    %broadcast_in_dim3A_93 = vector.broadcast %broadcast_in_dim3A_92 : f32 to vector<16xf32>
    %broadcast_in_dim3A_94 = arith.constant 0.000000e+00 : f32
    %broadcast_in_dim3A_95 = vector.broadcast %broadcast_in_dim3A_94 : f32 to vector<16xf32>
    %mul3A_96 = arith.constant 45 : i32
    %mul3A_97 = arith.muli %select_n3A_30, %mul3A_96 : i32
    %add3A_98 = arith.constant 600 : i32
    %add3A_99 = arith.addi %add3A_98, %mul3A_97 : i32
    %add3A_100 = arith.constant 0 : i32
    %add3A_101 = arith.addi %add3A_99, %add3A_100 : i32
    %mul3A_102 = arith.constant 128 : i32
    %mul3A_103 = arith.muli %add3A_101, %mul3A_102 : i32
    %dma_start3A = tpu.memref_slice %arg2[%mul3A_32, %mul3A_103] : memref<64x100000xf32, #tpu.memory_space<hbm>> -> memref<8x1920xf32, #tpu.memory_space<hbm>>
    %dma_start3A_104 = tpu.memref_slice %arg2[%mul3A_32, %mul3A_103] : memref<64x100000xf32, #tpu.memory_space<hbm>> -> memref<8x1920xf32, #tpu.memory_space<hbm>>
    tpu.enqueue_dma source(%dma_start3A_104 : memref<8x1920xf32, #tpu.memory_space<hbm>>) target(%arg8 : memref<8x1920xf32, #tpu.memory_space<vmem>>) target_semaphore(%arg15 : memref<!tpu.dma_semaphore, #tpu.memory_space<semaphore_mem>>)
    %dma_start3A_105 = tpu.memref_slice %arg3[%mul3A_32, %mul3A_103] : memref<64x100000xf32, #tpu.memory_space<hbm>> -> memref<8x1920xf32, #tpu.memory_space<hbm>>
    %dma_start3A_106 = tpu.memref_slice %arg3[%mul3A_32, %mul3A_103] : memref<64x100000xf32, #tpu.memory_space<hbm>> -> memref<8x1920xf32, #tpu.memory_space<hbm>>
    tpu.enqueue_dma source(%dma_start3A_106 : memref<8x1920xf32, #tpu.memory_space<hbm>>) target(%arg11 : memref<8x1920xf32, #tpu.memory_space<vmem>>) target_semaphore(%arg18 : memref<!tpu.dma_semaphore, #tpu.memory_space<semaphore_mem>>)
    %mul3A_107 = arith.constant 45 : i32
    %mul3A_108 = arith.muli %select_n3A_30, %mul3A_107 : i32
    %add3A_109 = arith.constant 600 : i32
    %add3A_110 = arith.addi %add3A_109, %mul3A_108 : i32
    %add3A_111 = arith.constant 15 : i32
    %add3A_112 = arith.addi %add3A_110, %add3A_111 : i32
    %mul3A_113 = arith.constant 128 : i32
    %mul3A_114 = arith.muli %add3A_112, %mul3A_113 : i32
    %dma_start3A_115 = tpu.memref_slice %arg2[%mul3A_32, %mul3A_114] : memref<64x100000xf32, #tpu.memory_space<hbm>> -> memref<8x1920xf32, #tpu.memory_space<hbm>>
    %dma_start3A_116 = tpu.memref_slice %arg2[%mul3A_32, %mul3A_114] : memref<64x100000xf32, #tpu.memory_space<hbm>> -> memref<8x1920xf32, #tpu.memory_space<hbm>>
    tpu.enqueue_dma source(%dma_start3A_116 : memref<8x1920xf32, #tpu.memory_space<hbm>>) target(%arg9 : memref<8x1920xf32, #tpu.memory_space<vmem>>) target_semaphore(%arg16 : memref<!tpu.dma_semaphore, #tpu.memory_space<semaphore_mem>>)
    %dma_start3A_117 = tpu.memref_slice %arg3[%mul3A_32, %mul3A_114] : memref<64x100000xf32, #tpu.memory_space<hbm>> -> memref<8x1920xf32, #tpu.memory_space<hbm>>
    %dma_start3A_118 = tpu.memref_slice %arg3[%mul3A_32, %mul3A_114] : memref<64x100000xf32, #tpu.memory_space<hbm>> -> memref<8x1920xf32, #tpu.memory_space<hbm>>
    tpu.enqueue_dma source(%dma_start3A_118 : memref<8x1920xf32, #tpu.memory_space<hbm>>) target(%arg12 : memref<8x1920xf32, #tpu.memory_space<vmem>>) target_semaphore(%arg19 : memref<!tpu.dma_semaphore, #tpu.memory_space<semaphore_mem>>)
    %mul3A_119 = arith.constant 45 : i32
    %mul3A_120 = arith.muli %select_n3A_30, %mul3A_119 : i32
    %add3A_121 = arith.constant 600 : i32
    %add3A_122 = arith.addi %add3A_121, %mul3A_120 : i32
    %add3A_123 = arith.constant 30 : i32
    %add3A_124 = arith.addi %add3A_122, %add3A_123 : i32
    %mul3A_125 = arith.constant 128 : i32
    %mul3A_126 = arith.muli %add3A_124, %mul3A_125 : i32
    %dma_start3A_127 = tpu.memref_slice %arg2[%mul3A_32, %mul3A_126] : memref<64x100000xf32, #tpu.memory_space<hbm>> -> memref<8x1920xf32, #tpu.memory_space<hbm>>
    %dma_start3A_128 = tpu.memref_slice %arg2[%mul3A_32, %mul3A_126] : memref<64x100000xf32, #tpu.memory_space<hbm>> -> memref<8x1920xf32, #tpu.memory_space<hbm>>
    tpu.enqueue_dma source(%dma_start3A_128 : memref<8x1920xf32, #tpu.memory_space<hbm>>) target(%arg10 : memref<8x1920xf32, #tpu.memory_space<vmem>>) target_semaphore(%arg17 : memref<!tpu.dma_semaphore, #tpu.memory_space<semaphore_mem>>)
    %dma_start3A_129 = tpu.memref_slice %arg3[%mul3A_32, %mul3A_126] : memref<64x100000xf32, #tpu.memory_space<hbm>> -> memref<8x1920xf32, #tpu.memory_space<hbm>>
    %dma_start3A_130 = tpu.memref_slice %arg3[%mul3A_32, %mul3A_126] : memref<64x100000xf32, #tpu.memory_space<hbm>> -> memref<8x1920xf32, #tpu.memory_space<hbm>>
    tpu.enqueue_dma source(%dma_start3A_130 : memref<8x1920xf32, #tpu.memory_space<hbm>>) target(%arg13 : memref<8x1920xf32, #tpu.memory_space<vmem>>) target_semaphore(%arg20 : memref<!tpu.dma_semaphore, #tpu.memory_space<semaphore_mem>>)
    %dma_wait3A = tpu.memref_slice %arg2[%mul3A_32, %mul3A_103] : memref<64x100000xf32, #tpu.memory_space<hbm>> -> memref<8x1920xf32, #tpu.memory_space<hbm>>
    %dma_wait3A_131 = tpu.memref_slice %arg2[%mul3A_32, %mul3A_103] : memref<64x100000xf32, #tpu.memory_space<hbm>> -> memref<8x1920xf32, #tpu.memory_space<hbm>>
    tpu.wait_dma2 semaphore(%arg15 : memref<!tpu.dma_semaphore, #tpu.memory_space<semaphore_mem>>) src(%dma_wait3A_131 : memref<8x1920xf32, #tpu.memory_space<hbm>>) dst(%arg8 : memref<8x1920xf32, #tpu.memory_space<vmem>>)
    %dma_wait3A_132 = tpu.memref_slice %arg3[%mul3A_32, %mul3A_103] : memref<64x100000xf32, #tpu.memory_space<hbm>> -> memref<8x1920xf32, #tpu.memory_space<hbm>>
    %dma_wait3A_133 = tpu.memref_slice %arg3[%mul3A_32, %mul3A_103] : memref<64x100000xf32, #tpu.memory_space<hbm>> -> memref<8x1920xf32, #tpu.memory_space<hbm>>
    tpu.wait_dma2 semaphore(%arg18 : memref<!tpu.dma_semaphore, #tpu.memory_space<semaphore_mem>>) src(%dma_wait3A_133 : memref<8x1920xf32, #tpu.memory_space<hbm>>) dst(%arg11 : memref<8x1920xf32, #tpu.memory_space<vmem>>)
    %scan3A = arith.constant 0 : i32
    %scan3A_134 = arith.constant 120 : i32
    %scan3A_135 = arith.addi %scan3A, %scan3A_134 : i32
    %scan3A_136 = arith.constant 1 : i32
    %scan3A_137:8 = scf.for %scan3A_447 = %scan3A to %scan3A_135 step %scan3A_136 iter_args(%scan3A_448 = %broadcast_in_dim3A_33, %scan3A_449 = %broadcast_in_dim3A_35, %scan3A_450 = %broadcast_in_dim3A_37, %scan3A_451 = %broadcast_in_dim3A_39, %scan3A_452 = %broadcast_in_dim3A_41, %scan3A_453 = %broadcast_in_dim3A_43, %scan3A_454 = %broadcast_in_dim3A_45, %scan3A_455 = %broadcast_in_dim3A_47) -> (vector<16xf32>, vector<16xf32>, vector<16xf32>, vector<16xf32>, vector<16xf32>, vector<16xf32>, vector<16xf32>, vector<16xf32>)  : i32 {
      %mul3A_456 = arith.constant 16 : i32
      %mul3A_457 = arith.muli %scan3A_447, %mul3A_456 : i32
      %get3A = arith.constant 0 : i32
      %get3A_458 = arith.index_cast %get3A : i32 to index
      %get3A_459 = arith.index_cast %mul3A_457 : i32 to index
      %get3A_460 = tpu.vector_load %arg8[%get3A_458, %get3A_459] {strides = array<i32>} : memref<8x1920xf32, #tpu.memory_space<vmem>>, vector<1x16xf32>,
      %get3A_461 = vector.shape_cast %get3A_460 : vector<1x16xf32> to vector<16xf32>
      %max3A = arith.maximumf %scan3A_448, %get3A_461 : vector<16xf32>
      %mul3A_462 = arith.constant 16 : i32
      %mul3A_463 = arith.muli %scan3A_447, %mul3A_462 : i32
      %get3A_464 = arith.constant 1 : i32
      %get3A_465 = arith.index_cast %get3A_464 : i32 to index
      %get3A_466 = arith.index_cast %mul3A_463 : i32 to index
      %get3A_467 = tpu.vector_load %arg8[%get3A_465, %get3A_466] {strides = array<i32>} : memref<8x1920xf32, #tpu.memory_space<vmem>>, vector<1x16xf32>,
      %get3A_468 = vector.shape_cast %get3A_467 : vector<1x16xf32> to vector<16xf32>
      %max3A_469 = arith.maximumf %scan3A_449, %get3A_468 : vector<16xf32>
      %mul3A_470 = arith.constant 16 : i32
      %mul3A_471 = arith.muli %scan3A_447, %mul3A_470 : i32
      %get3A_472 = arith.constant 2 : i32
      %get3A_473 = arith.index_cast %get3A_472 : i32 to index
      %get3A_474 = arith.index_cast %mul3A_471 : i32 to index
      %get3A_475 = tpu.vector_load %arg8[%get3A_473, %get3A_474] {strides = array<i32>} : memref<8x1920xf32, #tpu.memory_space<vmem>>, vector<1x16xf32>,
      %get3A_476 = vector.shape_cast %get3A_475 : vector<1x16xf32> to vector<16xf32>
      %max3A_477 = arith.maximumf %scan3A_450, %get3A_476 : vector<16xf32>
      %mul3A_478 = arith.constant 16 : i32
      %mul3A_479 = arith.muli %scan3A_447, %mul3A_478 : i32
      %get3A_480 = arith.constant 3 : i32
      %get3A_481 = arith.index_cast %get3A_480 : i32 to index
      %get3A_482 = arith.index_cast %mul3A_479 : i32 to index
      %get3A_483 = tpu.vector_load %arg8[%get3A_481, %get3A_482] {strides = array<i32>} : memref<8x1920xf32, #tpu.memory_space<vmem>>, vector<1x16xf32>,
      %get3A_484 = vector.shape_cast %get3A_483 : vector<1x16xf32> to vector<16xf32>
      %max3A_485 = arith.maximumf %scan3A_451, %get3A_484 : vector<16xf32>
      %mul3A_486 = arith.constant 16 : i32
      %mul3A_487 = arith.muli %scan3A_447, %mul3A_486 : i32
      %get3A_488 = arith.constant 4 : i32
      %get3A_489 = arith.index_cast %get3A_488 : i32 to index
      %get3A_490 = arith.index_cast %mul3A_487 : i32 to index
      %get3A_491 = tpu.vector_load %arg8[%get3A_489, %get3A_490] {strides = array<i32>} : memref<8x1920xf32, #tpu.memory_space<vmem>>, vector<1x16xf32>,
      %get3A_492 = vector.shape_cast %get3A_491 : vector<1x16xf32> to vector<16xf32>
      %max3A_493 = arith.maximumf %scan3A_452, %get3A_492 : vector<16xf32>
      %mul3A_494 = arith.constant 16 : i32
      %mul3A_495 = arith.muli %scan3A_447, %mul3A_494 : i32
      %get3A_496 = arith.constant 5 : i32
      %get3A_497 = arith.index_cast %get3A_496 : i32 to index
      %get3A_498 = arith.index_cast %mul3A_495 : i32 to index
      %get3A_499 = tpu.vector_load %arg8[%get3A_497, %get3A_498] {strides = array<i32>} : memref<8x1920xf32, #tpu.memory_space<vmem>>, vector<1x16xf32>,
      %get3A_500 = vector.shape_cast %get3A_499 : vector<1x16xf32> to vector<16xf32>
      %max3A_501 = arith.maximumf %scan3A_453, %get3A_500 : vector<16xf32>
      %mul3A_502 = arith.constant 16 : i32
      %mul3A_503 = arith.muli %scan3A_447, %mul3A_502 : i32
      %get3A_504 = arith.constant 6 : i32
      %get3A_505 = arith.index_cast %get3A_504 : i32 to index
      %get3A_506 = arith.index_cast %mul3A_503 : i32 to index
      %get3A_507 = tpu.vector_load %arg8[%get3A_505, %get3A_506] {strides = array<i32>} : memref<8x1920xf32, #tpu.memory_space<vmem>>, vector<1x16xf32>,
      %get3A_508 = vector.shape_cast %get3A_507 : vector<1x16xf32> to vector<16xf32>
      %max3A_509 = arith.maximumf %scan3A_454, %get3A_508 : vector<16xf32>
      %mul3A_510 = arith.constant 16 : i32
      %mul3A_511 = arith.muli %scan3A_447, %mul3A_510 : i32
      %get3A_512 = arith.constant 7 : i32
      %get3A_513 = arith.index_cast %get3A_512 : i32 to index
      %get3A_514 = arith.index_cast %mul3A_511 : i32 to index
      %get3A_515 = tpu.vector_load %arg8[%get3A_513, %get3A_514] {strides = array<i32>} : memref<8x1920xf32, #tpu.memory_space<vmem>>, vector<1x16xf32>,
      %get3A_516 = vector.shape_cast %get3A_515 : vector<1x16xf32> to vector<16xf32>
      %max3A_517 = arith.maximumf %scan3A_455, %get3A_516 : vector<16xf32>
      scf.yield %max3A, %max3A_469, %max3A_477, %max3A_485, %max3A_493, %max3A_501, %max3A_509, %max3A_517 : vector<16xf32>, vector<16xf32>, vector<16xf32>, vector<16xf32>, vector<16xf32>, vector<16xf32>, vector<16xf32>, vector<16xf32>
    }
    %scan3A_138 = arith.constant 120 : i32
    %sub3A_139 = arith.subf %broadcast_in_dim3A_33, %scan3A_137#0 : vector<16xf32>
    %exp3A = math.exp %sub3A_139 : vector<16xf32>
    %mul3A_140 = arith.mulf %broadcast_in_dim3A_49, %exp3A : vector<16xf32>
    %sub3A_141 = arith.subf %broadcast_in_dim3A_35, %scan3A_137#1 : vector<16xf32>
    %exp3A_142 = math.exp %sub3A_141 : vector<16xf32>
    %mul3A_143 = arith.mulf %broadcast_in_dim3A_51, %exp3A_142 : vector<16xf32>
    %sub3A_144 = arith.subf %broadcast_in_dim3A_37, %scan3A_137#2 : vector<16xf32>
    %exp3A_145 = math.exp %sub3A_144 : vector<16xf32>
    %mul3A_146 = arith.mulf %broadcast_in_dim3A_53, %exp3A_145 : vector<16xf32>
    %sub3A_147 = arith.subf %broadcast_in_dim3A_39, %scan3A_137#3 : vector<16xf32>
    %exp3A_148 = math.exp %sub3A_147 : vector<16xf32>
    %mul3A_149 = arith.mulf %broadcast_in_dim3A_55, %exp3A_148 : vector<16xf32>
    %sub3A_150 = arith.subf %broadcast_in_dim3A_41, %scan3A_137#4 : vector<16xf32>
    %exp3A_151 = math.exp %sub3A_150 : vector<16xf32>
    %mul3A_152 = arith.mulf %broadcast_in_dim3A_57, %exp3A_151 : vector<16xf32>
    %sub3A_153 = arith.subf %broadcast_in_dim3A_43, %scan3A_137#5 : vector<16xf32>
    %exp3A_154 = math.exp %sub3A_153 : vector<16xf32>
    %mul3A_155 = arith.mulf %broadcast_in_dim3A_59, %exp3A_154 : vector<16xf32>
    %sub3A_156 = arith.subf %broadcast_in_dim3A_45, %scan3A_137#6 : vector<16xf32>
    %exp3A_157 = math.exp %sub3A_156 : vector<16xf32>
    %mul3A_158 = arith.mulf %broadcast_in_dim3A_61, %exp3A_157 : vector<16xf32>
    %sub3A_159 = arith.subf %broadcast_in_dim3A_47, %scan3A_137#7 : vector<16xf32>
    %exp3A_160 = math.exp %sub3A_159 : vector<16xf32>
    %mul3A_161 = arith.mulf %broadcast_in_dim3A_63, %exp3A_160 : vector<16xf32>
    %scan3A_162 = arith.constant 0 : i32
    %scan3A_163 = arith.constant 120 : i32
    %scan3A_164 = arith.addi %scan3A_162, %scan3A_163 : i32
    %scan3A_165 = arith.constant 1 : i32
    %scan3A_166:24 = scf.for %scan3A_447 = %scan3A_162 to %scan3A_164 step %scan3A_165 iter_args(%scan3A_448 = %mul3A_140, %scan3A_449 = %mul3A_143, %scan3A_450 = %mul3A_146, %scan3A_451 = %mul3A_149, %scan3A_452 = %mul3A_152, %scan3A_453 = %mul3A_155, %scan3A_454 = %mul3A_158, %scan3A_455 = %mul3A_161, %scan3A_456 = %broadcast_in_dim3A_65, %scan3A_457 = %broadcast_in_dim3A_67, %scan3A_458 = %broadcast_in_dim3A_69, %scan3A_459 = %broadcast_in_dim3A_71, %scan3A_460 = %broadcast_in_dim3A_73, %scan3A_461 = %broadcast_in_dim3A_75, %scan3A_462 = %broadcast_in_dim3A_77, %scan3A_463 = %broadcast_in_dim3A_79, %scan3A_464 = %broadcast_in_dim3A_81, %scan3A_465 = %broadcast_in_dim3A_83, %scan3A_466 = %broadcast_in_dim3A_85, %scan3A_467 = %broadcast_in_dim3A_87, %scan3A_468 = %broadcast_in_dim3A_89, %scan3A_469 = %broadcast_in_dim3A_91, %scan3A_470 = %broadcast_in_dim3A_93, %scan3A_471 = %broadcast_in_dim3A_95) -> (vector<16xf32>, vector<16xf32>, vector<16xf32>, vector<16xf32>, vector<16xf32>, vector<16xf32>, vector<16xf32>, vector<16xf32>, vector<16xf32>, vector<16xf32>, vector<16xf32>, vector<16xf32>, vector<16xf32>, vector<16xf32>, vector<16xf32>, vector<16xf32>, vector<16xf32>, vector<16xf32>, vector<16xf32>, vector<16xf32>, vector<16xf32>, vector<16xf32>, vector<16xf32>, vector<16xf32>)  : i32 {
      %mul3A_472 = arith.constant 16 : i32
      %mul3A_473 = arith.muli %scan3A_447, %mul3A_472 : i32
      %get3A = arith.constant 0 : i32
      %get3A_474 = arith.index_cast %get3A : i32 to index
      %get3A_475 = arith.index_cast %mul3A_473 : i32 to index
      %get3A_476 = tpu.vector_load %arg8[%get3A_474, %get3A_475] {strides = array<i32>} : memref<8x1920xf32, #tpu.memory_space<vmem>>, vector<1x16xf32>,
      %get3A_477 = vector.shape_cast %get3A_476 : vector<1x16xf32> to vector<16xf32>
      %mul3A_478 = arith.constant 16 : i32
      %mul3A_479 = arith.muli %scan3A_447, %mul3A_478 : i32
      %get3A_480 = arith.constant 0 : i32
      %get3A_481 = arith.index_cast %get3A_480 : i32 to index
      %get3A_482 = arith.index_cast %mul3A_479 : i32 to index
      %get3A_483 = tpu.vector_load %arg11[%get3A_481, %get3A_482] {strides = array<i32>} : memref<8x1920xf32, #tpu.memory_space<vmem>>, vector<1x16xf32>,
      %get3A_484 = vector.shape_cast %get3A_483 : vector<1x16xf32> to vector<16xf32>
      %sub3A_485 = arith.subf %get3A_477, %scan3A_137#0 : vector<16xf32>
      %exp3A_486 = math.exp %sub3A_485 : vector<16xf32>
      %add3A_487 = arith.addf %scan3A_448, %exp3A_486 : vector<16xf32>
      %mul3A_488 = arith.mulf %get3A_484, %get3A_477 : vector<16xf32>
      %add3A_489 = arith.addf %scan3A_456, %mul3A_488 : vector<16xf32>
      %add3A_490 = arith.addf %scan3A_464, %get3A_484 : vector<16xf32>
      %mul3A_491 = arith.constant 16 : i32
      %mul3A_492 = arith.muli %scan3A_447, %mul3A_491 : i32
      %get3A_493 = arith.constant 1 : i32
      %get3A_494 = arith.index_cast %get3A_493 : i32 to index
      %get3A_495 = arith.index_cast %mul3A_492 : i32 to index
      %get3A_496 = tpu.vector_load %arg8[%get3A_494, %get3A_495] {strides = array<i32>} : memref<8x1920xf32, #tpu.memory_space<vmem>>, vector<1x16xf32>,
      %get3A_497 = vector.shape_cast %get3A_496 : vector<1x16xf32> to vector<16xf32>
      %mul3A_498 = arith.constant 16 : i32
      %mul3A_499 = arith.muli %scan3A_447, %mul3A_498 : i32
      %get3A_500 = arith.constant 1 : i32
      %get3A_501 = arith.index_cast %get3A_500 : i32 to index
      %get3A_502 = arith.index_cast %mul3A_499 : i32 to index
      %get3A_503 = tpu.vector_load %arg11[%get3A_501, %get3A_502] {strides = array<i32>} : memref<8x1920xf32, #tpu.memory_space<vmem>>, vector<1x16xf32>,
      %get3A_504 = vector.shape_cast %get3A_503 : vector<1x16xf32> to vector<16xf32>
      %sub3A_505 = arith.subf %get3A_497, %scan3A_137#1 : vector<16xf32>
      %exp3A_506 = math.exp %sub3A_505 : vector<16xf32>
      %add3A_507 = arith.addf %scan3A_449, %exp3A_506 : vector<16xf32>
      %mul3A_508 = arith.mulf %get3A_504, %get3A_497 : vector<16xf32>
      %add3A_509 = arith.addf %scan3A_457, %mul3A_508 : vector<16xf32>
      %add3A_510 = arith.addf %scan3A_465, %get3A_504 : vector<16xf32>
      %mul3A_511 = arith.constant 16 : i32
      %mul3A_512 = arith.muli %scan3A_447, %mul3A_511 : i32
      %get3A_513 = arith.constant 2 : i32
      %get3A_514 = arith.index_cast %get3A_513 : i32 to index
      %get3A_515 = arith.index_cast %mul3A_512 : i32 to index
      %get3A_516 = tpu.vector_load %arg8[%get3A_514, %get3A_515] {strides = array<i32>} : memref<8x1920xf32, #tpu.memory_space<vmem>>, vector<1x16xf32>,
      %get3A_517 = vector.shape_cast %get3A_516 : vector<1x16xf32> to vector<16xf32>
      %mul3A_518 = arith.constant 16 : i32
      %mul3A_519 = arith.muli %scan3A_447, %mul3A_518 : i32
      %get3A_520 = arith.constant 2 : i32
      %get3A_521 = arith.index_cast %get3A_520 : i32 to index
      %get3A_522 = arith.index_cast %mul3A_519 : i32 to index
      %get3A_523 = tpu.vector_load %arg11[%get3A_521, %get3A_522] {strides = array<i32>} : memref<8x1920xf32, #tpu.memory_space<vmem>>, vector<1x16xf32>,
      %get3A_524 = vector.shape_cast %get3A_523 : vector<1x16xf32> to vector<16xf32>
      %sub3A_525 = arith.subf %get3A_517, %scan3A_137#2 : vector<16xf32>
      %exp3A_526 = math.exp %sub3A_525 : vector<16xf32>
      %add3A_527 = arith.addf %scan3A_450, %exp3A_526 : vector<16xf32>
      %mul3A_528 = arith.mulf %get3A_524, %get3A_517 : vector<16xf32>
      %add3A_529 = arith.addf %scan3A_458, %mul3A_528 : vector<16xf32>
      %add3A_530 = arith.addf %scan3A_466, %get3A_524 : vector<16xf32>
      %mul3A_531 = arith.constant 16 : i32
      %mul3A_532 = arith.muli %scan3A_447, %mul3A_531 : i32
      %get3A_533 = arith.constant 3 : i32
      %get3A_534 = arith.index_cast %get3A_533 : i32 to index
      %get3A_535 = arith.index_cast %mul3A_532 : i32 to index
      %get3A_536 = tpu.vector_load %arg8[%get3A_534, %get3A_535] {strides = array<i32>} : memref<8x1920xf32, #tpu.memory_space<vmem>>, vector<1x16xf32>,
      %get3A_537 = vector.shape_cast %get3A_536 : vector<1x16xf32> to vector<16xf32>
      %mul3A_538 = arith.constant 16 : i32
      %mul3A_539 = arith.muli %scan3A_447, %mul3A_538 : i32
      %get3A_540 = arith.constant 3 : i32
      %get3A_541 = arith.index_cast %get3A_540 : i32 to index
      %get3A_542 = arith.index_cast %mul3A_539 : i32 to index
      %get3A_543 = tpu.vector_load %arg11[%get3A_541, %get3A_542] {strides = array<i32>} : memref<8x1920xf32, #tpu.memory_space<vmem>>, vector<1x16xf32>,
      %get3A_544 = vector.shape_cast %get3A_543 : vector<1x16xf32> to vector<16xf32>
      %sub3A_545 = arith.subf %get3A_537, %scan3A_137#3 : vector<16xf32>
      %exp3A_546 = math.exp %sub3A_545 : vector<16xf32>
      %add3A_547 = arith.addf %scan3A_451, %exp3A_546 : vector<16xf32>
      %mul3A_548 = arith.mulf %get3A_544, %get3A_537 : vector<16xf32>
      %add3A_549 = arith.addf %scan3A_459, %mul3A_548 : vector<16xf32>
      %add3A_550 = arith.addf %scan3A_467, %get3A_544 : vector<16xf32>
      %mul3A_551 = arith.constant 16 : i32
      %mul3A_552 = arith.muli %scan3A_447, %mul3A_551 : i32
      %get3A_553 = arith.constant 4 : i32
      %get3A_554 = arith.index_cast %get3A_553 : i32 to index
      %get3A_555 = arith.index_cast %mul3A_552 : i32 to index
      %get3A_556 = tpu.vector_load %arg8[%get3A_554, %get3A_555] {strides = array<i32>} : memref<8x1920xf32, #tpu.memory_space<vmem>>, vector<1x16xf32>,
      %get3A_557 = vector.shape_cast %get3A_556 : vector<1x16xf32> to vector<16xf32>
      %mul3A_558 = arith.constant 16 : i32
      %mul3A_559 = arith.muli %scan3A_447, %mul3A_558 : i32
      %get3A_560 = arith.constant 4 : i32
      %get3A_561 = arith.index_cast %get3A_560 : i32 to index
      %get3A_562 = arith.index_cast %mul3A_559 : i32 to index
      %get3A_563 = tpu.vector_load %arg11[%get3A_561, %get3A_562] {strides = array<i32>} : memref<8x1920xf32, #tpu.memory_space<vmem>>, vector<1x16xf32>,
      %get3A_564 = vector.shape_cast %get3A_563 : vector<1x16xf32> to vector<16xf32>
      %sub3A_565 = arith.subf %get3A_557, %scan3A_137#4 : vector<16xf32>
      %exp3A_566 = math.exp %sub3A_565 : vector<16xf32>
      %add3A_567 = arith.addf %scan3A_452, %exp3A_566 : vector<16xf32>
      %mul3A_568 = arith.mulf %get3A_564, %get3A_557 : vector<16xf32>
      %add3A_569 = arith.addf %scan3A_460, %mul3A_568 : vector<16xf32>
      %add3A_570 = arith.addf %scan3A_468, %get3A_564 : vector<16xf32>
      %mul3A_571 = arith.constant 16 : i32
      %mul3A_572 = arith.muli %scan3A_447, %mul3A_571 : i32
      %get3A_573 = arith.constant 5 : i32
      %get3A_574 = arith.index_cast %get3A_573 : i32 to index
      %get3A_575 = arith.index_cast %mul3A_572 : i32 to index
      %get3A_576 = tpu.vector_load %arg8[%get3A_574, %get3A_575] {strides = array<i32>} : memref<8x1920xf32, #tpu.memory_space<vmem>>, vector<1x16xf32>,
      %get3A_577 = vector.shape_cast %get3A_576 : vector<1x16xf32> to vector<16xf32>
      %mul3A_578 = arith.constant 16 : i32
      %mul3A_579 = arith.muli %scan3A_447, %mul3A_578 : i32
      %get3A_580 = arith.constant 5 : i32
      %get3A_581 = arith.index_cast %get3A_580 : i32 to index
      %get3A_582 = arith.index_cast %mul3A_579 : i32 to index
      %get3A_583 = tpu.vector_load %arg11[%get3A_581, %get3A_582] {strides = array<i32>} : memref<8x1920xf32, #tpu.memory_space<vmem>>, vector<1x16xf32>,
      %get3A_584 = vector.shape_cast %get3A_583 : vector<1x16xf32> to vector<16xf32>
      %sub3A_585 = arith.subf %get3A_577, %scan3A_137#5 : vector<16xf32>
      %exp3A_586 = math.exp %sub3A_585 : vector<16xf32>
      %add3A_587 = arith.addf %scan3A_453, %exp3A_586 : vector<16xf32>
      %mul3A_588 = arith.mulf %get3A_584, %get3A_577 : vector<16xf32>
      %add3A_589 = arith.addf %scan3A_461, %mul3A_588 : vector<16xf32>
      %add3A_590 = arith.addf %scan3A_469, %get3A_584 : vector<16xf32>
      %mul3A_591 = arith.constant 16 : i32
      %mul3A_592 = arith.muli %scan3A_447, %mul3A_591 : i32
      %get3A_593 = arith.constant 6 : i32
      %get3A_594 = arith.index_cast %get3A_593 : i32 to index
      %get3A_595 = arith.index_cast %mul3A_592 : i32 to index
      %get3A_596 = tpu.vector_load %arg8[%get3A_594, %get3A_595] {strides = array<i32>} : memref<8x1920xf32, #tpu.memory_space<vmem>>, vector<1x16xf32>,
      %get3A_597 = vector.shape_cast %get3A_596 : vector<1x16xf32> to vector<16xf32>
      %mul3A_598 = arith.constant 16 : i32
      %mul3A_599 = arith.muli %scan3A_447, %mul3A_598 : i32
      %get3A_600 = arith.constant 6 : i32
      %get3A_601 = arith.index_cast %get3A_600 : i32 to index
      %get3A_602 = arith.index_cast %mul3A_599 : i32 to index
      %get3A_603 = tpu.vector_load %arg11[%get3A_601, %get3A_602] {strides = array<i32>} : memref<8x1920xf32, #tpu.memory_space<vmem>>, vector<1x16xf32>,
      %get3A_604 = vector.shape_cast %get3A_603 : vector<1x16xf32> to vector<16xf32>
      %sub3A_605 = arith.subf %get3A_597, %scan3A_137#6 : vector<16xf32>
      %exp3A_606 = math.exp %sub3A_605 : vector<16xf32>
      %add3A_607 = arith.addf %scan3A_454, %exp3A_606 : vector<16xf32>
      %mul3A_608 = arith.mulf %get3A_604, %get3A_597 : vector<16xf32>
      %add3A_609 = arith.addf %scan3A_462, %mul3A_608 : vector<16xf32>
      %add3A_610 = arith.addf %scan3A_470, %get3A_604 : vector<16xf32>
      %mul3A_611 = arith.constant 16 : i32
      %mul3A_612 = arith.muli %scan3A_447, %mul3A_611 : i32
      %get3A_613 = arith.constant 7 : i32
      %get3A_614 = arith.index_cast %get3A_613 : i32 to index
      %get3A_615 = arith.index_cast %mul3A_612 : i32 to index
      %get3A_616 = tpu.vector_load %arg8[%get3A_614, %get3A_615] {strides = array<i32>} : memref<8x1920xf32, #tpu.memory_space<vmem>>, vector<1x16xf32>,
      %get3A_617 = vector.shape_cast %get3A_616 : vector<1x16xf32> to vector<16xf32>
      %mul3A_618 = arith.constant 16 : i32
      %mul3A_619 = arith.muli %scan3A_447, %mul3A_618 : i32
      %get3A_620 = arith.constant 7 : i32
      %get3A_621 = arith.index_cast %get3A_620 : i32 to index
      %get3A_622 = arith.index_cast %mul3A_619 : i32 to index
      %get3A_623 = tpu.vector_load %arg11[%get3A_621, %get3A_622] {strides = array<i32>} : memref<8x1920xf32, #tpu.memory_space<vmem>>, vector<1x16xf32>,
      %get3A_624 = vector.shape_cast %get3A_623 : vector<1x16xf32> to vector<16xf32>
      %sub3A_625 = arith.subf %get3A_617, %scan3A_137#7 : vector<16xf32>
      %exp3A_626 = math.exp %sub3A_625 : vector<16xf32>
      %add3A_627 = arith.addf %scan3A_455, %exp3A_626 : vector<16xf32>
      %mul3A_628 = arith.mulf %get3A_624, %get3A_617 : vector<16xf32>
      %add3A_629 = arith.addf %scan3A_463, %mul3A_628 : vector<16xf32>
      %add3A_630 = arith.addf %scan3A_471, %get3A_624 : vector<16xf32>
      scf.yield %add3A_487, %add3A_507, %add3A_527, %add3A_547, %add3A_567, %add3A_587, %add3A_607, %add3A_627, %add3A_489, %add3A_509, %add3A_529, %add3A_549, %add3A_569, %add3A_589, %add3A_609, %add3A_629, %add3A_490, %add3A_510, %add3A_530, %add3A_550, %add3A_570, %add3A_590, %add3A_610, %add3A_630 : vector<16xf32>, vector<16xf32>, vector<16xf32>, vector<16xf32>, vector<16xf32>, vector<16xf32>, vector<16xf32>, vector<16xf32>, vector<16xf32>, vector<16xf32>, vector<16xf32>, vector<16xf32>, vector<16xf32>, vector<16xf32>, vector<16xf32>, vector<16xf32>, vector<16xf32>, vector<16xf32>, vector<16xf32>, vector<16xf32>, vector<16xf32>, vector<16xf32>, vector<16xf32>, vector<16xf32>
    }
    %scan3A_167 = arith.constant 120 : i32
    %dma_wait3A_168 = tpu.memref_slice %arg2[%mul3A_32, %mul3A_114] : memref<64x100000xf32, #tpu.memory_space<hbm>> -> memref<8x1920xf32, #tpu.memory_space<hbm>>
    %dma_wait3A_169 = tpu.memref_slice %arg2[%mul3A_32, %mul3A_114] : memref<64x100000xf32, #tpu.memory_space<hbm>> -> memref<8x1920xf32, #tpu.memory_space<hbm>>
    tpu.wait_dma2 semaphore(%arg16 : memref<!tpu.dma_semaphore, #tpu.memory_space<semaphore_mem>>) src(%dma_wait3A_169 : memref<8x1920xf32, #tpu.memory_space<hbm>>) dst(%arg9 : memref<8x1920xf32, #tpu.memory_space<vmem>>)
    %dma_wait3A_170 = tpu.memref_slice %arg3[%mul3A_32, %mul3A_114] : memref<64x100000xf32, #tpu.memory_space<hbm>> -> memref<8x1920xf32, #tpu.memory_space<hbm>>
    %dma_wait3A_171 = tpu.memref_slice %arg3[%mul3A_32, %mul3A_114] : memref<64x100000xf32, #tpu.memory_space<hbm>> -> memref<8x1920xf32, #tpu.memory_space<hbm>>
    tpu.wait_dma2 semaphore(%arg19 : memref<!tpu.dma_semaphore, #tpu.memory_space<semaphore_mem>>) src(%dma_wait3A_171 : memref<8x1920xf32, #tpu.memory_space<hbm>>) dst(%arg12 : memref<8x1920xf32, #tpu.memory_space<vmem>>)
    %scan3A_172 = arith.constant 0 : i32
    %scan3A_173 = arith.constant 120 : i32
    %scan3A_174 = arith.addi %scan3A_172, %scan3A_173 : i32
    %scan3A_175 = arith.constant 1 : i32
    %scan3A_176:8 = scf.for %scan3A_447 = %scan3A_172 to %scan3A_174 step %scan3A_175 iter_args(%scan3A_448 = %scan3A_137#0, %scan3A_449 = %scan3A_137#1, %scan3A_450 = %scan3A_137#2, %scan3A_451 = %scan3A_137#3, %scan3A_452 = %scan3A_137#4, %scan3A_453 = %scan3A_137#5, %scan3A_454 = %scan3A_137#6, %scan3A_455 = %scan3A_137#7) -> (vector<16xf32>, vector<16xf32>, vector<16xf32>, vector<16xf32>, vector<16xf32>, vector<16xf32>, vector<16xf32>, vector<16xf32>)  : i32 {
      %mul3A_456 = arith.constant 16 : i32
      %mul3A_457 = arith.muli %scan3A_447, %mul3A_456 : i32
      %get3A = arith.constant 0 : i32
      %get3A_458 = arith.index_cast %get3A : i32 to index
      %get3A_459 = arith.index_cast %mul3A_457 : i32 to index
      %get3A_460 = tpu.vector_load %arg9[%get3A_458, %get3A_459] {strides = array<i32>} : memref<8x1920xf32, #tpu.memory_space<vmem>>, vector<1x16xf32>,
      %get3A_461 = vector.shape_cast %get3A_460 : vector<1x16xf32> to vector<16xf32>
      %max3A = arith.maximumf %scan3A_448, %get3A_461 : vector<16xf32>
      %mul3A_462 = arith.constant 16 : i32
      %mul3A_463 = arith.muli %scan3A_447, %mul3A_462 : i32
      %get3A_464 = arith.constant 1 : i32
      %get3A_465 = arith.index_cast %get3A_464 : i32 to index
      %get3A_466 = arith.index_cast %mul3A_463 : i32 to index
      %get3A_467 = tpu.vector_load %arg9[%get3A_465, %get3A_466] {strides = array<i32>} : memref<8x1920xf32, #tpu.memory_space<vmem>>, vector<1x16xf32>,
      %get3A_468 = vector.shape_cast %get3A_467 : vector<1x16xf32> to vector<16xf32>
      %max3A_469 = arith.maximumf %scan3A_449, %get3A_468 : vector<16xf32>
      %mul3A_470 = arith.constant 16 : i32
      %mul3A_471 = arith.muli %scan3A_447, %mul3A_470 : i32
      %get3A_472 = arith.constant 2 : i32
      %get3A_473 = arith.index_cast %get3A_472 : i32 to index
      %get3A_474 = arith.index_cast %mul3A_471 : i32 to index
      %get3A_475 = tpu.vector_load %arg9[%get3A_473, %get3A_474] {strides = array<i32>} : memref<8x1920xf32, #tpu.memory_space<vmem>>, vector<1x16xf32>,
      %get3A_476 = vector.shape_cast %get3A_475 : vector<1x16xf32> to vector<16xf32>
      %max3A_477 = arith.maximumf %scan3A_450, %get3A_476 : vector<16xf32>
      %mul3A_478 = arith.constant 16 : i32
      %mul3A_479 = arith.muli %scan3A_447, %mul3A_478 : i32
      %get3A_480 = arith.constant 3 : i32
      %get3A_481 = arith.index_cast %get3A_480 : i32 to index
      %get3A_482 = arith.index_cast %mul3A_479 : i32 to index
      %get3A_483 = tpu.vector_load %arg9[%get3A_481, %get3A_482] {strides = array<i32>} : memref<8x1920xf32, #tpu.memory_space<vmem>>, vector<1x16xf32>,
      %get3A_484 = vector.shape_cast %get3A_483 : vector<1x16xf32> to vector<16xf32>
      %max3A_485 = arith.maximumf %scan3A_451, %get3A_484 : vector<16xf32>
      %mul3A_486 = arith.constant 16 : i32
      %mul3A_487 = arith.muli %scan3A_447, %mul3A_486 : i32
      %get3A_488 = arith.constant 4 : i32
      %get3A_489 = arith.index_cast %get3A_488 : i32 to index
      %get3A_490 = arith.index_cast %mul3A_487 : i32 to index
      %get3A_491 = tpu.vector_load %arg9[%get3A_489, %get3A_490] {strides = array<i32>} : memref<8x1920xf32, #tpu.memory_space<vmem>>, vector<1x16xf32>,
      %get3A_492 = vector.shape_cast %get3A_491 : vector<1x16xf32> to vector<16xf32>
      %max3A_493 = arith.maximumf %scan3A_452, %get3A_492 : vector<16xf32>
      %mul3A_494 = arith.constant 16 : i32
      %mul3A_495 = arith.muli %scan3A_447, %mul3A_494 : i32
      %get3A_496 = arith.constant 5 : i32
      %get3A_497 = arith.index_cast %get3A_496 : i32 to index
      %get3A_498 = arith.index_cast %mul3A_495 : i32 to index
      %get3A_499 = tpu.vector_load %arg9[%get3A_497, %get3A_498] {strides = array<i32>} : memref<8x1920xf32, #tpu.memory_space<vmem>>, vector<1x16xf32>,
      %get3A_500 = vector.shape_cast %get3A_499 : vector<1x16xf32> to vector<16xf32>
      %max3A_501 = arith.maximumf %scan3A_453, %get3A_500 : vector<16xf32>
      %mul3A_502 = arith.constant 16 : i32
      %mul3A_503 = arith.muli %scan3A_447, %mul3A_502 : i32
      %get3A_504 = arith.constant 6 : i32
      %get3A_505 = arith.index_cast %get3A_504 : i32 to index
      %get3A_506 = arith.index_cast %mul3A_503 : i32 to index
      %get3A_507 = tpu.vector_load %arg9[%get3A_505, %get3A_506] {strides = array<i32>} : memref<8x1920xf32, #tpu.memory_space<vmem>>, vector<1x16xf32>,
      %get3A_508 = vector.shape_cast %get3A_507 : vector<1x16xf32> to vector<16xf32>
      %max3A_509 = arith.maximumf %scan3A_454, %get3A_508 : vector<16xf32>
      %mul3A_510 = arith.constant 16 : i32
      %mul3A_511 = arith.muli %scan3A_447, %mul3A_510 : i32
      %get3A_512 = arith.constant 7 : i32
      %get3A_513 = arith.index_cast %get3A_512 : i32 to index
      %get3A_514 = arith.index_cast %mul3A_511 : i32 to index
      %get3A_515 = tpu.vector_load %arg9[%get3A_513, %get3A_514] {strides = array<i32>} : memref<8x1920xf32, #tpu.memory_space<vmem>>, vector<1x16xf32>,
      %get3A_516 = vector.shape_cast %get3A_515 : vector<1x16xf32> to vector<16xf32>
      %max3A_517 = arith.maximumf %scan3A_455, %get3A_516 : vector<16xf32>
      scf.yield %max3A, %max3A_469, %max3A_477, %max3A_485, %max3A_493, %max3A_501, %max3A_509, %max3A_517 : vector<16xf32>, vector<16xf32>, vector<16xf32>, vector<16xf32>, vector<16xf32>, vector<16xf32>, vector<16xf32>, vector<16xf32>
    }
    %scan3A_177 = arith.constant 120 : i32
    %sub3A_178 = arith.subf %scan3A_137#0, %scan3A_176#0 : vector<16xf32>
    %exp3A_179 = math.exp %sub3A_178 : vector<16xf32>
    %mul3A_180 = arith.mulf %scan3A_166#0, %exp3A_179 : vector<16xf32>
    %sub3A_181 = arith.subf %scan3A_137#1, %scan3A_176#1 : vector<16xf32>
    %exp3A_182 = math.exp %sub3A_181 : vector<16xf32>
    %mul3A_183 = arith.mulf %scan3A_166#1, %exp3A_182 : vector<16xf32>
    %sub3A_184 = arith.subf %scan3A_137#2, %scan3A_176#2 : vector<16xf32>
    %exp3A_185 = math.exp %sub3A_184 : vector<16xf32>
    %mul3A_186 = arith.mulf %scan3A_166#2, %exp3A_185 : vector<16xf32>
    %sub3A_187 = arith.subf %scan3A_137#3, %scan3A_176#3 : vector<16xf32>
    %exp3A_188 = math.exp %sub3A_187 : vector<16xf32>
    %mul3A_189 = arith.mulf %scan3A_166#3, %exp3A_188 : vector<16xf32>
    %sub3A_190 = arith.subf %scan3A_137#4, %scan3A_176#4 : vector<16xf32>
    %exp3A_191 = math.exp %sub3A_190 : vector<16xf32>
    %mul3A_192 = arith.mulf %scan3A_166#4, %exp3A_191 : vector<16xf32>
    %sub3A_193 = arith.subf %scan3A_137#5, %scan3A_176#5 : vector<16xf32>
    %exp3A_194 = math.exp %sub3A_193 : vector<16xf32>
    %mul3A_195 = arith.mulf %scan3A_166#5, %exp3A_194 : vector<16xf32>
    %sub3A_196 = arith.subf %scan3A_137#6, %scan3A_176#6 : vector<16xf32>
    %exp3A_197 = math.exp %sub3A_196 : vector<16xf32>
    %mul3A_198 = arith.mulf %scan3A_166#6, %exp3A_197 : vector<16xf32>
    %sub3A_199 = arith.subf %scan3A_137#7, %scan3A_176#7 : vector<16xf32>
    %exp3A_200 = math.exp %sub3A_199 : vector<16xf32>
    %mul3A_201 = arith.mulf %scan3A_166#7, %exp3A_200 : vector<16xf32>
    %scan3A_202 = arith.constant 0 : i32
    %scan3A_203 = arith.constant 120 : i32
    %scan3A_204 = arith.addi %scan3A_202, %scan3A_203 : i32
    %scan3A_205 = arith.constant 1 : i32
    %scan3A_206:24 = scf.for %scan3A_447 = %scan3A_202 to %scan3A_204 step %scan3A_205 iter_args(%scan3A_448 = %mul3A_180, %scan3A_449 = %mul3A_183, %scan3A_450 = %mul3A_186, %scan3A_451 = %mul3A_189, %scan3A_452 = %mul3A_192, %scan3A_453 = %mul3A_195, %scan3A_454 = %mul3A_198, %scan3A_455 = %mul3A_201, %scan3A_456 = %scan3A_166#8, %scan3A_457 = %scan3A_166#9, %scan3A_458 = %scan3A_166#10, %scan3A_459 = %scan3A_166#11, %scan3A_460 = %scan3A_166#12, %scan3A_461 = %scan3A_166#13, %scan3A_462 = %scan3A_166#14, %scan3A_463 = %scan3A_166#15, %scan3A_464 = %scan3A_166#16, %scan3A_465 = %scan3A_166#17, %scan3A_466 = %scan3A_166#18, %scan3A_467 = %scan3A_166#19, %scan3A_468 = %scan3A_166#20, %scan3A_469 = %scan3A_166#21, %scan3A_470 = %scan3A_166#22, %scan3A_471 = %scan3A_166#23) -> (vector<16xf32>, vector<16xf32>, vector<16xf32>, vector<16xf32>, vector<16xf32>, vector<16xf32>, vector<16xf32>, vector<16xf32>, vector<16xf32>, vector<16xf32>, vector<16xf32>, vector<16xf32>, vector<16xf32>, vector<16xf32>, vector<16xf32>, vector<16xf32>, vector<16xf32>, vector<16xf32>, vector<16xf32>, vector<16xf32>, vector<16xf32>, vector<16xf32>, vector<16xf32>, vector<16xf32>)  : i32 {
      %mul3A_472 = arith.constant 16 : i32
      %mul3A_473 = arith.muli %scan3A_447, %mul3A_472 : i32
      %get3A = arith.constant 0 : i32
      %get3A_474 = arith.index_cast %get3A : i32 to index
      %get3A_475 = arith.index_cast %mul3A_473 : i32 to index
      %get3A_476 = tpu.vector_load %arg9[%get3A_474, %get3A_475] {strides = array<i32>} : memref<8x1920xf32, #tpu.memory_space<vmem>>, vector<1x16xf32>,
      %get3A_477 = vector.shape_cast %get3A_476 : vector<1x16xf32> to vector<16xf32>
      %mul3A_478 = arith.constant 16 : i32
      %mul3A_479 = arith.muli %scan3A_447, %mul3A_478 : i32
      %get3A_480 = arith.constant 0 : i32
      %get3A_481 = arith.index_cast %get3A_480 : i32 to index
      %get3A_482 = arith.index_cast %mul3A_479 : i32 to index
      %get3A_483 = tpu.vector_load %arg12[%get3A_481, %get3A_482] {strides = array<i32>} : memref<8x1920xf32, #tpu.memory_space<vmem>>, vector<1x16xf32>,
      %get3A_484 = vector.shape_cast %get3A_483 : vector<1x16xf32> to vector<16xf32>
      %sub3A_485 = arith.subf %get3A_477, %scan3A_176#0 : vector<16xf32>
      %exp3A_486 = math.exp %sub3A_485 : vector<16xf32>
      %add3A_487 = arith.addf %scan3A_448, %exp3A_486 : vector<16xf32>
      %mul3A_488 = arith.mulf %get3A_484, %get3A_477 : vector<16xf32>
      %add3A_489 = arith.addf %scan3A_456, %mul3A_488 : vector<16xf32>
      %add3A_490 = arith.addf %scan3A_464, %get3A_484 : vector<16xf32>
      %mul3A_491 = arith.constant 16 : i32
      %mul3A_492 = arith.muli %scan3A_447, %mul3A_491 : i32
      %get3A_493 = arith.constant 1 : i32
      %get3A_494 = arith.index_cast %get3A_493 : i32 to index
      %get3A_495 = arith.index_cast %mul3A_492 : i32 to index
      %get3A_496 = tpu.vector_load %arg9[%get3A_494, %get3A_495] {strides = array<i32>} : memref<8x1920xf32, #tpu.memory_space<vmem>>, vector<1x16xf32>,
      %get3A_497 = vector.shape_cast %get3A_496 : vector<1x16xf32> to vector<16xf32>
      %mul3A_498 = arith.constant 16 : i32
      %mul3A_499 = arith.muli %scan3A_447, %mul3A_498 : i32
      %get3A_500 = arith.constant 1 : i32
      %get3A_501 = arith.index_cast %get3A_500 : i32 to index
      %get3A_502 = arith.index_cast %mul3A_499 : i32 to index
      %get3A_503 = tpu.vector_load %arg12[%get3A_501, %get3A_502] {strides = array<i32>} : memref<8x1920xf32, #tpu.memory_space<vmem>>, vector<1x16xf32>,
      %get3A_504 = vector.shape_cast %get3A_503 : vector<1x16xf32> to vector<16xf32>
      %sub3A_505 = arith.subf %get3A_497, %scan3A_176#1 : vector<16xf32>
      %exp3A_506 = math.exp %sub3A_505 : vector<16xf32>
      %add3A_507 = arith.addf %scan3A_449, %exp3A_506 : vector<16xf32>
      %mul3A_508 = arith.mulf %get3A_504, %get3A_497 : vector<16xf32>
      %add3A_509 = arith.addf %scan3A_457, %mul3A_508 : vector<16xf32>
      %add3A_510 = arith.addf %scan3A_465, %get3A_504 : vector<16xf32>
      %mul3A_511 = arith.constant 16 : i32
      %mul3A_512 = arith.muli %scan3A_447, %mul3A_511 : i32
      %get3A_513 = arith.constant 2 : i32
      %get3A_514 = arith.index_cast %get3A_513 : i32 to index
      %get3A_515 = arith.index_cast %mul3A_512 : i32 to index
      %get3A_516 = tpu.vector_load %arg9[%get3A_514, %get3A_515] {strides = array<i32>} : memref<8x1920xf32, #tpu.memory_space<vmem>>, vector<1x16xf32>,
      %get3A_517 = vector.shape_cast %get3A_516 : vector<1x16xf32> to vector<16xf32>
      %mul3A_518 = arith.constant 16 : i32
      %mul3A_519 = arith.muli %scan3A_447, %mul3A_518 : i32
      %get3A_520 = arith.constant 2 : i32
      %get3A_521 = arith.index_cast %get3A_520 : i32 to index
      %get3A_522 = arith.index_cast %mul3A_519 : i32 to index
      %get3A_523 = tpu.vector_load %arg12[%get3A_521, %get3A_522] {strides = array<i32>} : memref<8x1920xf32, #tpu.memory_space<vmem>>, vector<1x16xf32>,
      %get3A_524 = vector.shape_cast %get3A_523 : vector<1x16xf32> to vector<16xf32>
      %sub3A_525 = arith.subf %get3A_517, %scan3A_176#2 : vector<16xf32>
      %exp3A_526 = math.exp %sub3A_525 : vector<16xf32>
      %add3A_527 = arith.addf %scan3A_450, %exp3A_526 : vector<16xf32>
      %mul3A_528 = arith.mulf %get3A_524, %get3A_517 : vector<16xf32>
      %add3A_529 = arith.addf %scan3A_458, %mul3A_528 : vector<16xf32>
      %add3A_530 = arith.addf %scan3A_466, %get3A_524 : vector<16xf32>
      %mul3A_531 = arith.constant 16 : i32
      %mul3A_532 = arith.muli %scan3A_447, %mul3A_531 : i32
      %get3A_533 = arith.constant 3 : i32
      %get3A_534 = arith.index_cast %get3A_533 : i32 to index
      %get3A_535 = arith.index_cast %mul3A_532 : i32 to index
      %get3A_536 = tpu.vector_load %arg9[%get3A_534, %get3A_535] {strides = array<i32>} : memref<8x1920xf32, #tpu.memory_space<vmem>>, vector<1x16xf32>,
      %get3A_537 = vector.shape_cast %get3A_536 : vector<1x16xf32> to vector<16xf32>
      %mul3A_538 = arith.constant 16 : i32
      %mul3A_539 = arith.muli %scan3A_447, %mul3A_538 : i32
      %get3A_540 = arith.constant 3 : i32
      %get3A_541 = arith.index_cast %get3A_540 : i32 to index
      %get3A_542 = arith.index_cast %mul3A_539 : i32 to index
      %get3A_543 = tpu.vector_load %arg12[%get3A_541, %get3A_542] {strides = array<i32>} : memref<8x1920xf32, #tpu.memory_space<vmem>>, vector<1x16xf32>,
      %get3A_544 = vector.shape_cast %get3A_543 : vector<1x16xf32> to vector<16xf32>
      %sub3A_545 = arith.subf %get3A_537, %scan3A_176#3 : vector<16xf32>
      %exp3A_546 = math.exp %sub3A_545 : vector<16xf32>
      %add3A_547 = arith.addf %scan3A_451, %exp3A_546 : vector<16xf32>
      %mul3A_548 = arith.mulf %get3A_544, %get3A_537 : vector<16xf32>
      %add3A_549 = arith.addf %scan3A_459, %mul3A_548 : vector<16xf32>
      %add3A_550 = arith.addf %scan3A_467, %get3A_544 : vector<16xf32>
      %mul3A_551 = arith.constant 16 : i32
      %mul3A_552 = arith.muli %scan3A_447, %mul3A_551 : i32
      %get3A_553 = arith.constant 4 : i32
      %get3A_554 = arith.index_cast %get3A_553 : i32 to index
      %get3A_555 = arith.index_cast %mul3A_552 : i32 to index
      %get3A_556 = tpu.vector_load %arg9[%get3A_554, %get3A_555] {strides = array<i32>} : memref<8x1920xf32, #tpu.memory_space<vmem>>, vector<1x16xf32>,
      %get3A_557 = vector.shape_cast %get3A_556 : vector<1x16xf32> to vector<16xf32>
      %mul3A_558 = arith.constant 16 : i32
      %mul3A_559 = arith.muli %scan3A_447, %mul3A_558 : i32
      %get3A_560 = arith.constant 4 : i32
      %get3A_561 = arith.index_cast %get3A_560 : i32 to index
      %get3A_562 = arith.index_cast %mul3A_559 : i32 to index
      %get3A_563 = tpu.vector_load %arg12[%get3A_561, %get3A_562] {strides = array<i32>} : memref<8x1920xf32, #tpu.memory_space<vmem>>, vector<1x16xf32>,
      %get3A_564 = vector.shape_cast %get3A_563 : vector<1x16xf32> to vector<16xf32>
      %sub3A_565 = arith.subf %get3A_557, %scan3A_176#4 : vector<16xf32>
      %exp3A_566 = math.exp %sub3A_565 : vector<16xf32>
      %add3A_567 = arith.addf %scan3A_452, %exp3A_566 : vector<16xf32>
      %mul3A_568 = arith.mulf %get3A_564, %get3A_557 : vector<16xf32>
      %add3A_569 = arith.addf %scan3A_460, %mul3A_568 : vector<16xf32>
      %add3A_570 = arith.addf %scan3A_468, %get3A_564 : vector<16xf32>
      %mul3A_571 = arith.constant 16 : i32
      %mul3A_572 = arith.muli %scan3A_447, %mul3A_571 : i32
      %get3A_573 = arith.constant 5 : i32
      %get3A_574 = arith.index_cast %get3A_573 : i32 to index
      %get3A_575 = arith.index_cast %mul3A_572 : i32 to index
      %get3A_576 = tpu.vector_load %arg9[%get3A_574, %get3A_575] {strides = array<i32>} : memref<8x1920xf32, #tpu.memory_space<vmem>>, vector<1x16xf32>,
      %get3A_577 = vector.shape_cast %get3A_576 : vector<1x16xf32> to vector<16xf32>
      %mul3A_578 = arith.constant 16 : i32
      %mul3A_579 = arith.muli %scan3A_447, %mul3A_578 : i32
      %get3A_580 = arith.constant 5 : i32
      %get3A_581 = arith.index_cast %get3A_580 : i32 to index
      %get3A_582 = arith.index_cast %mul3A_579 : i32 to index
      %get3A_583 = tpu.vector_load %arg12[%get3A_581, %get3A_582] {strides = array<i32>} : memref<8x1920xf32, #tpu.memory_space<vmem>>, vector<1x16xf32>,
      %get3A_584 = vector.shape_cast %get3A_583 : vector<1x16xf32> to vector<16xf32>
      %sub3A_585 = arith.subf %get3A_577, %scan3A_176#5 : vector<16xf32>
      %exp3A_586 = math.exp %sub3A_585 : vector<16xf32>
      %add3A_587 = arith.addf %scan3A_453, %exp3A_586 : vector<16xf32>
      %mul3A_588 = arith.mulf %get3A_584, %get3A_577 : vector<16xf32>
      %add3A_589 = arith.addf %scan3A_461, %mul3A_588 : vector<16xf32>
      %add3A_590 = arith.addf %scan3A_469, %get3A_584 : vector<16xf32>
      %mul3A_591 = arith.constant 16 : i32
      %mul3A_592 = arith.muli %scan3A_447, %mul3A_591 : i32
      %get3A_593 = arith.constant 6 : i32
      %get3A_594 = arith.index_cast %get3A_593 : i32 to index
      %get3A_595 = arith.index_cast %mul3A_592 : i32 to index
      %get3A_596 = tpu.vector_load %arg9[%get3A_594, %get3A_595] {strides = array<i32>} : memref<8x1920xf32, #tpu.memory_space<vmem>>, vector<1x16xf32>,
      %get3A_597 = vector.shape_cast %get3A_596 : vector<1x16xf32> to vector<16xf32>
      %mul3A_598 = arith.constant 16 : i32
      %mul3A_599 = arith.muli %scan3A_447, %mul3A_598 : i32
      %get3A_600 = arith.constant 6 : i32
      %get3A_601 = arith.index_cast %get3A_600 : i32 to index
      %get3A_602 = arith.index_cast %mul3A_599 : i32 to index
      %get3A_603 = tpu.vector_load %arg12[%get3A_601, %get3A_602] {strides = array<i32>} : memref<8x1920xf32, #tpu.memory_space<vmem>>, vector<1x16xf32>,
      %get3A_604 = vector.shape_cast %get3A_603 : vector<1x16xf32> to vector<16xf32>
      %sub3A_605 = arith.subf %get3A_597, %scan3A_176#6 : vector<16xf32>
      %exp3A_606 = math.exp %sub3A_605 : vector<16xf32>
      %add3A_607 = arith.addf %scan3A_454, %exp3A_606 : vector<16xf32>
      %mul3A_608 = arith.mulf %get3A_604, %get3A_597 : vector<16xf32>
      %add3A_609 = arith.addf %scan3A_462, %mul3A_608 : vector<16xf32>
      %add3A_610 = arith.addf %scan3A_470, %get3A_604 : vector<16xf32>
      %mul3A_611 = arith.constant 16 : i32
      %mul3A_612 = arith.muli %scan3A_447, %mul3A_611 : i32
      %get3A_613 = arith.constant 7 : i32
      %get3A_614 = arith.index_cast %get3A_613 : i32 to index
      %get3A_615 = arith.index_cast %mul3A_612 : i32 to index
      %get3A_616 = tpu.vector_load %arg9[%get3A_614, %get3A_615] {strides = array<i32>} : memref<8x1920xf32, #tpu.memory_space<vmem>>, vector<1x16xf32>,
      %get3A_617 = vector.shape_cast %get3A_616 : vector<1x16xf32> to vector<16xf32>
      %mul3A_618 = arith.constant 16 : i32
      %mul3A_619 = arith.muli %scan3A_447, %mul3A_618 : i32
      %get3A_620 = arith.constant 7 : i32
      %get3A_621 = arith.index_cast %get3A_620 : i32 to index
      %get3A_622 = arith.index_cast %mul3A_619 : i32 to index
      %get3A_623 = tpu.vector_load %arg12[%get3A_621, %get3A_622] {strides = array<i32>} : memref<8x1920xf32, #tpu.memory_space<vmem>>, vector<1x16xf32>,
      %get3A_624 = vector.shape_cast %get3A_623 : vector<1x16xf32> to vector<16xf32>
      %sub3A_625 = arith.subf %get3A_617, %scan3A_176#7 : vector<16xf32>
      %exp3A_626 = math.exp %sub3A_625 : vector<16xf32>
      %add3A_627 = arith.addf %scan3A_455, %exp3A_626 : vector<16xf32>
      %mul3A_628 = arith.mulf %get3A_624, %get3A_617 : vector<16xf32>
      %add3A_629 = arith.addf %scan3A_463, %mul3A_628 : vector<16xf32>
      %add3A_630 = arith.addf %scan3A_471, %get3A_624 : vector<16xf32>
      scf.yield %add3A_487, %add3A_507, %add3A_527, %add3A_547, %add3A_567, %add3A_587, %add3A_607, %add3A_627, %add3A_489, %add3A_509, %add3A_529, %add3A_549, %add3A_569, %add3A_589, %add3A_609, %add3A_629, %add3A_490, %add3A_510, %add3A_530, %add3A_550, %add3A_570, %add3A_590, %add3A_610, %add3A_630 : vector<16xf32>, vector<16xf32>, vector<16xf32>, vector<16xf32>, vector<16xf32>, vector<16xf32>, vector<16xf32>, vector<16xf32>, vector<16xf32>, vector<16xf32>, vector<16xf32>, vector<16xf32>, vector<16xf32>, vector<16xf32>, vector<16xf32>, vector<16xf32>, vector<16xf32>, vector<16xf32>, vector<16xf32>, vector<16xf32>, vector<16xf32>, vector<16xf32>, vector<16xf32>, vector<16xf32>
    }
    %scan3A_207 = arith.constant 120 : i32
    %dma_wait3A_208 = tpu.memref_slice %arg2[%mul3A_32, %mul3A_126] : memref<64x100000xf32, #tpu.memory_space<hbm>> -> memref<8x1920xf32, #tpu.memory_space<hbm>>
    %dma_wait3A_209 = tpu.memref_slice %arg2[%mul3A_32, %mul3A_126] : memref<64x100000xf32, #tpu.memory_space<hbm>> -> memref<8x1920xf32, #tpu.memory_space<hbm>>
    tpu.wait_dma2 semaphore(%arg17 : memref<!tpu.dma_semaphore, #tpu.memory_space<semaphore_mem>>) src(%dma_wait3A_209 : memref<8x1920xf32, #tpu.memory_space<hbm>>) dst(%arg10 : memref<8x1920xf32, #tpu.memory_space<vmem>>)
    %dma_wait3A_210 = tpu.memref_slice %arg3[%mul3A_32, %mul3A_126] : memref<64x100000xf32, #tpu.memory_space<hbm>> -> memref<8x1920xf32, #tpu.memory_space<hbm>>
    %dma_wait3A_211 = tpu.memref_slice %arg3[%mul3A_32, %mul3A_126] : memref<64x100000xf32, #tpu.memory_space<hbm>> -> memref<8x1920xf32, #tpu.memory_space<hbm>>
    tpu.wait_dma2 semaphore(%arg20 : memref<!tpu.dma_semaphore, #tpu.memory_space<semaphore_mem>>) src(%dma_wait3A_211 : memref<8x1920xf32, #tpu.memory_space<hbm>>) dst(%arg13 : memref<8x1920xf32, #tpu.memory_space<vmem>>)
    %scan3A_212 = arith.constant 0 : i32
    %scan3A_213 = arith.constant 120 : i32
    %scan3A_214 = arith.addi %scan3A_212, %scan3A_213 : i32
    %scan3A_215 = arith.constant 1 : i32
    %scan3A_216:8 = scf.for %scan3A_447 = %scan3A_212 to %scan3A_214 step %scan3A_215 iter_args(%scan3A_448 = %scan3A_176#0, %scan3A_449 = %scan3A_176#1, %scan3A_450 = %scan3A_176#2, %scan3A_451 = %scan3A_176#3, %scan3A_452 = %scan3A_176#4, %scan3A_453 = %scan3A_176#5, %scan3A_454 = %scan3A_176#6, %scan3A_455 = %scan3A_176#7) -> (vector<16xf32>, vector<16xf32>, vector<16xf32>, vector<16xf32>, vector<16xf32>, vector<16xf32>, vector<16xf32>, vector<16xf32>)  : i32 {
      %mul3A_456 = arith.constant 16 : i32
      %mul3A_457 = arith.muli %scan3A_447, %mul3A_456 : i32
      %get3A = arith.constant 0 : i32
      %get3A_458 = arith.index_cast %get3A : i32 to index
      %get3A_459 = arith.index_cast %mul3A_457 : i32 to index
      %get3A_460 = tpu.vector_load %arg10[%get3A_458, %get3A_459] {strides = array<i32>} : memref<8x1920xf32, #tpu.memory_space<vmem>>, vector<1x16xf32>,
      %get3A_461 = vector.shape_cast %get3A_460 : vector<1x16xf32> to vector<16xf32>
      %max3A = arith.maximumf %scan3A_448, %get3A_461 : vector<16xf32>
      %mul3A_462 = arith.constant 16 : i32
      %mul3A_463 = arith.muli %scan3A_447, %mul3A_462 : i32
      %get3A_464 = arith.constant 1 : i32
      %get3A_465 = arith.index_cast %get3A_464 : i32 to index
      %get3A_466 = arith.index_cast %mul3A_463 : i32 to index
      %get3A_467 = tpu.vector_load %arg10[%get3A_465, %get3A_466] {strides = array<i32>} : memref<8x1920xf32, #tpu.memory_space<vmem>>, vector<1x16xf32>,
      %get3A_468 = vector.shape_cast %get3A_467 : vector<1x16xf32> to vector<16xf32>
      %max3A_469 = arith.maximumf %scan3A_449, %get3A_468 : vector<16xf32>
      %mul3A_470 = arith.constant 16 : i32
      %mul3A_471 = arith.muli %scan3A_447, %mul3A_470 : i32
      %get3A_472 = arith.constant 2 : i32
      %get3A_473 = arith.index_cast %get3A_472 : i32 to index
      %get3A_474 = arith.index_cast %mul3A_471 : i32 to index
      %get3A_475 = tpu.vector_load %arg10[%get3A_473, %get3A_474] {strides = array<i32>} : memref<8x1920xf32, #tpu.memory_space<vmem>>, vector<1x16xf32>,
      %get3A_476 = vector.shape_cast %get3A_475 : vector<1x16xf32> to vector<16xf32>
      %max3A_477 = arith.maximumf %scan3A_450, %get3A_476 : vector<16xf32>
      %mul3A_478 = arith.constant 16 : i32
      %mul3A_479 = arith.muli %scan3A_447, %mul3A_478 : i32
      %get3A_480 = arith.constant 3 : i32
      %get3A_481 = arith.index_cast %get3A_480 : i32 to index
      %get3A_482 = arith.index_cast %mul3A_479 : i32 to index
      %get3A_483 = tpu.vector_load %arg10[%get3A_481, %get3A_482] {strides = array<i32>} : memref<8x1920xf32, #tpu.memory_space<vmem>>, vector<1x16xf32>,
      %get3A_484 = vector.shape_cast %get3A_483 : vector<1x16xf32> to vector<16xf32>
      %max3A_485 = arith.maximumf %scan3A_451, %get3A_484 : vector<16xf32>
      %mul3A_486 = arith.constant 16 : i32
      %mul3A_487 = arith.muli %scan3A_447, %mul3A_486 : i32
      %get3A_488 = arith.constant 4 : i32
      %get3A_489 = arith.index_cast %get3A_488 : i32 to index
      %get3A_490 = arith.index_cast %mul3A_487 : i32 to index
      %get3A_491 = tpu.vector_load %arg10[%get3A_489, %get3A_490] {strides = array<i32>} : memref<8x1920xf32, #tpu.memory_space<vmem>>, vector<1x16xf32>,
      %get3A_492 = vector.shape_cast %get3A_491 : vector<1x16xf32> to vector<16xf32>
      %max3A_493 = arith.maximumf %scan3A_452, %get3A_492 : vector<16xf32>
      %mul3A_494 = arith.constant 16 : i32
      %mul3A_495 = arith.muli %scan3A_447, %mul3A_494 : i32
      %get3A_496 = arith.constant 5 : i32
      %get3A_497 = arith.index_cast %get3A_496 : i32 to index
      %get3A_498 = arith.index_cast %mul3A_495 : i32 to index
      %get3A_499 = tpu.vector_load %arg10[%get3A_497, %get3A_498] {strides = array<i32>} : memref<8x1920xf32, #tpu.memory_space<vmem>>, vector<1x16xf32>,
      %get3A_500 = vector.shape_cast %get3A_499 : vector<1x16xf32> to vector<16xf32>
      %max3A_501 = arith.maximumf %scan3A_453, %get3A_500 : vector<16xf32>
      %mul3A_502 = arith.constant 16 : i32
      %mul3A_503 = arith.muli %scan3A_447, %mul3A_502 : i32
      %get3A_504 = arith.constant 6 : i32
      %get3A_505 = arith.index_cast %get3A_504 : i32 to index
      %get3A_506 = arith.index_cast %mul3A_503 : i32 to index
      %get3A_507 = tpu.vector_load %arg10[%get3A_505, %get3A_506] {strides = array<i32>} : memref<8x1920xf32, #tpu.memory_space<vmem>>, vector<1x16xf32>,
      %get3A_508 = vector.shape_cast %get3A_507 : vector<1x16xf32> to vector<16xf32>
      %max3A_509 = arith.maximumf %scan3A_454, %get3A_508 : vector<16xf32>
      %mul3A_510 = arith.constant 16 : i32
      %mul3A_511 = arith.muli %scan3A_447, %mul3A_510 : i32
      %get3A_512 = arith.constant 7 : i32
      %get3A_513 = arith.index_cast %get3A_512 : i32 to index
      %get3A_514 = arith.index_cast %mul3A_511 : i32 to index
      %get3A_515 = tpu.vector_load %arg10[%get3A_513, %get3A_514] {strides = array<i32>} : memref<8x1920xf32, #tpu.memory_space<vmem>>, vector<1x16xf32>,
      %get3A_516 = vector.shape_cast %get3A_515 : vector<1x16xf32> to vector<16xf32>
      %max3A_517 = arith.maximumf %scan3A_455, %get3A_516 : vector<16xf32>
      scf.yield %max3A, %max3A_469, %max3A_477, %max3A_485, %max3A_493, %max3A_501, %max3A_509, %max3A_517 : vector<16xf32>, vector<16xf32>, vector<16xf32>, vector<16xf32>, vector<16xf32>, vector<16xf32>, vector<16xf32>, vector<16xf32>
    }
    %scan3A_217 = arith.constant 120 : i32
    %sub3A_218 = arith.subf %scan3A_176#0, %scan3A_216#0 : vector<16xf32>
    %exp3A_219 = math.exp %sub3A_218 : vector<16xf32>
    %mul3A_220 = arith.mulf %scan3A_206#0, %exp3A_219 : vector<16xf32>
    %sub3A_221 = arith.subf %scan3A_176#1, %scan3A_216#1 : vector<16xf32>
    %exp3A_222 = math.exp %sub3A_221 : vector<16xf32>
    %mul3A_223 = arith.mulf %scan3A_206#1, %exp3A_222 : vector<16xf32>
    %sub3A_224 = arith.subf %scan3A_176#2, %scan3A_216#2 : vector<16xf32>
    %exp3A_225 = math.exp %sub3A_224 : vector<16xf32>
    %mul3A_226 = arith.mulf %scan3A_206#2, %exp3A_225 : vector<16xf32>
    %sub3A_227 = arith.subf %scan3A_176#3, %scan3A_216#3 : vector<16xf32>
    %exp3A_228 = math.exp %sub3A_227 : vector<16xf32>
    %mul3A_229 = arith.mulf %scan3A_206#3, %exp3A_228 : vector<16xf32>
    %sub3A_230 = arith.subf %scan3A_176#4, %scan3A_216#4 : vector<16xf32>
    %exp3A_231 = math.exp %sub3A_230 : vector<16xf32>
    %mul3A_232 = arith.mulf %scan3A_206#4, %exp3A_231 : vector<16xf32>
    %sub3A_233 = arith.subf %scan3A_176#5, %scan3A_216#5 : vector<16xf32>
    %exp3A_234 = math.exp %sub3A_233 : vector<16xf32>
    %mul3A_235 = arith.mulf %scan3A_206#5, %exp3A_234 : vector<16xf32>
    %sub3A_236 = arith.subf %scan3A_176#6, %scan3A_216#6 : vector<16xf32>
    %exp3A_237 = math.exp %sub3A_236 : vector<16xf32>
    %mul3A_238 = arith.mulf %scan3A_206#6, %exp3A_237 : vector<16xf32>
    %sub3A_239 = arith.subf %scan3A_176#7, %scan3A_216#7 : vector<16xf32>
    %exp3A_240 = math.exp %sub3A_239 : vector<16xf32>
    %mul3A_241 = arith.mulf %scan3A_206#7, %exp3A_240 : vector<16xf32>
    %scan3A_242 = arith.constant 0 : i32
    %scan3A_243 = arith.constant 120 : i32
    %scan3A_244 = arith.addi %scan3A_242, %scan3A_243 : i32
    %scan3A_245 = arith.constant 1 : i32
    %scan3A_246:24 = scf.for %scan3A_447 = %scan3A_242 to %scan3A_244 step %scan3A_245 iter_args(%scan3A_448 = %mul3A_220, %scan3A_449 = %mul3A_223, %scan3A_450 = %mul3A_226, %scan3A_451 = %mul3A_229, %scan3A_452 = %mul3A_232, %scan3A_453 = %mul3A_235, %scan3A_454 = %mul3A_238, %scan3A_455 = %mul3A_241, %scan3A_456 = %scan3A_206#8, %scan3A_457 = %scan3A_206#9, %scan3A_458 = %scan3A_206#10, %scan3A_459 = %scan3A_206#11, %scan3A_460 = %scan3A_206#12, %scan3A_461 = %scan3A_206#13, %scan3A_462 = %scan3A_206#14, %scan3A_463 = %scan3A_206#15, %scan3A_464 = %scan3A_206#16, %scan3A_465 = %scan3A_206#17, %scan3A_466 = %scan3A_206#18, %scan3A_467 = %scan3A_206#19, %scan3A_468 = %scan3A_206#20, %scan3A_469 = %scan3A_206#21, %scan3A_470 = %scan3A_206#22, %scan3A_471 = %scan3A_206#23) -> (vector<16xf32>, vector<16xf32>, vector<16xf32>, vector<16xf32>, vector<16xf32>, vector<16xf32>, vector<16xf32>, vector<16xf32>, vector<16xf32>, vector<16xf32>, vector<16xf32>, vector<16xf32>, vector<16xf32>, vector<16xf32>, vector<16xf32>, vector<16xf32>, vector<16xf32>, vector<16xf32>, vector<16xf32>, vector<16xf32>, vector<16xf32>, vector<16xf32>, vector<16xf32>, vector<16xf32>)  : i32 {
      %mul3A_472 = arith.constant 16 : i32
      %mul3A_473 = arith.muli %scan3A_447, %mul3A_472 : i32
      %get3A = arith.constant 0 : i32
      %get3A_474 = arith.index_cast %get3A : i32 to index
      %get3A_475 = arith.index_cast %mul3A_473 : i32 to index
      %get3A_476 = tpu.vector_load %arg10[%get3A_474, %get3A_475] {strides = array<i32>} : memref<8x1920xf32, #tpu.memory_space<vmem>>, vector<1x16xf32>,
      %get3A_477 = vector.shape_cast %get3A_476 : vector<1x16xf32> to vector<16xf32>
      %mul3A_478 = arith.constant 16 : i32
      %mul3A_479 = arith.muli %scan3A_447, %mul3A_478 : i32
      %get3A_480 = arith.constant 0 : i32
      %get3A_481 = arith.index_cast %get3A_480 : i32 to index
      %get3A_482 = arith.index_cast %mul3A_479 : i32 to index
      %get3A_483 = tpu.vector_load %arg13[%get3A_481, %get3A_482] {strides = array<i32>} : memref<8x1920xf32, #tpu.memory_space<vmem>>, vector<1x16xf32>,
      %get3A_484 = vector.shape_cast %get3A_483 : vector<1x16xf32> to vector<16xf32>
      %sub3A_485 = arith.subf %get3A_477, %scan3A_216#0 : vector<16xf32>
      %exp3A_486 = math.exp %sub3A_485 : vector<16xf32>
      %add3A_487 = arith.addf %scan3A_448, %exp3A_486 : vector<16xf32>
      %mul3A_488 = arith.mulf %get3A_484, %get3A_477 : vector<16xf32>
      %add3A_489 = arith.addf %scan3A_456, %mul3A_488 : vector<16xf32>
      %add3A_490 = arith.addf %scan3A_464, %get3A_484 : vector<16xf32>
      %mul3A_491 = arith.constant 16 : i32
      %mul3A_492 = arith.muli %scan3A_447, %mul3A_491 : i32
      %get3A_493 = arith.constant 1 : i32
      %get3A_494 = arith.index_cast %get3A_493 : i32 to index
      %get3A_495 = arith.index_cast %mul3A_492 : i32 to index
      %get3A_496 = tpu.vector_load %arg10[%get3A_494, %get3A_495] {strides = array<i32>} : memref<8x1920xf32, #tpu.memory_space<vmem>>, vector<1x16xf32>,
      %get3A_497 = vector.shape_cast %get3A_496 : vector<1x16xf32> to vector<16xf32>
      %mul3A_498 = arith.constant 16 : i32
      %mul3A_499 = arith.muli %scan3A_447, %mul3A_498 : i32
      %get3A_500 = arith.constant 1 : i32
      %get3A_501 = arith.index_cast %get3A_500 : i32 to index
      %get3A_502 = arith.index_cast %mul3A_499 : i32 to index
      %get3A_503 = tpu.vector_load %arg13[%get3A_501, %get3A_502] {strides = array<i32>} : memref<8x1920xf32, #tpu.memory_space<vmem>>, vector<1x16xf32>,
      %get3A_504 = vector.shape_cast %get3A_503 : vector<1x16xf32> to vector<16xf32>
      %sub3A_505 = arith.subf %get3A_497, %scan3A_216#1 : vector<16xf32>
      %exp3A_506 = math.exp %sub3A_505 : vector<16xf32>
      %add3A_507 = arith.addf %scan3A_449, %exp3A_506 : vector<16xf32>
      %mul3A_508 = arith.mulf %get3A_504, %get3A_497 : vector<16xf32>
      %add3A_509 = arith.addf %scan3A_457, %mul3A_508 : vector<16xf32>
      %add3A_510 = arith.addf %scan3A_465, %get3A_504 : vector<16xf32>
      %mul3A_511 = arith.constant 16 : i32
      %mul3A_512 = arith.muli %scan3A_447, %mul3A_511 : i32
      %get3A_513 = arith.constant 2 : i32
      %get3A_514 = arith.index_cast %get3A_513 : i32 to index
      %get3A_515 = arith.index_cast %mul3A_512 : i32 to index
      %get3A_516 = tpu.vector_load %arg10[%get3A_514, %get3A_515] {strides = array<i32>} : memref<8x1920xf32, #tpu.memory_space<vmem>>, vector<1x16xf32>,
      %get3A_517 = vector.shape_cast %get3A_516 : vector<1x16xf32> to vector<16xf32>
      %mul3A_518 = arith.constant 16 : i32
      %mul3A_519 = arith.muli %scan3A_447, %mul3A_518 : i32
      %get3A_520 = arith.constant 2 : i32
      %get3A_521 = arith.index_cast %get3A_520 : i32 to index
      %get3A_522 = arith.index_cast %mul3A_519 : i32 to index
      %get3A_523 = tpu.vector_load %arg13[%get3A_521, %get3A_522] {strides = array<i32>} : memref<8x1920xf32, #tpu.memory_space<vmem>>, vector<1x16xf32>,
      %get3A_524 = vector.shape_cast %get3A_523 : vector<1x16xf32> to vector<16xf32>
      %sub3A_525 = arith.subf %get3A_517, %scan3A_216#2 : vector<16xf32>
      %exp3A_526 = math.exp %sub3A_525 : vector<16xf32>
      %add3A_527 = arith.addf %scan3A_450, %exp3A_526 : vector<16xf32>
      %mul3A_528 = arith.mulf %get3A_524, %get3A_517 : vector<16xf32>
      %add3A_529 = arith.addf %scan3A_458, %mul3A_528 : vector<16xf32>
      %add3A_530 = arith.addf %scan3A_466, %get3A_524 : vector<16xf32>
      %mul3A_531 = arith.constant 16 : i32
      %mul3A_532 = arith.muli %scan3A_447, %mul3A_531 : i32
      %get3A_533 = arith.constant 3 : i32
      %get3A_534 = arith.index_cast %get3A_533 : i32 to index
      %get3A_535 = arith.index_cast %mul3A_532 : i32 to index
      %get3A_536 = tpu.vector_load %arg10[%get3A_534, %get3A_535] {strides = array<i32>} : memref<8x1920xf32, #tpu.memory_space<vmem>>, vector<1x16xf32>,
      %get3A_537 = vector.shape_cast %get3A_536 : vector<1x16xf32> to vector<16xf32>
      %mul3A_538 = arith.constant 16 : i32
      %mul3A_539 = arith.muli %scan3A_447, %mul3A_538 : i32
      %get3A_540 = arith.constant 3 : i32
      %get3A_541 = arith.index_cast %get3A_540 : i32 to index
      %get3A_542 = arith.index_cast %mul3A_539 : i32 to index
      %get3A_543 = tpu.vector_load %arg13[%get3A_541, %get3A_542] {strides = array<i32>} : memref<8x1920xf32, #tpu.memory_space<vmem>>, vector<1x16xf32>,
      %get3A_544 = vector.shape_cast %get3A_543 : vector<1x16xf32> to vector<16xf32>
      %sub3A_545 = arith.subf %get3A_537, %scan3A_216#3 : vector<16xf32>
      %exp3A_546 = math.exp %sub3A_545 : vector<16xf32>
      %add3A_547 = arith.addf %scan3A_451, %exp3A_546 : vector<16xf32>
      %mul3A_548 = arith.mulf %get3A_544, %get3A_537 : vector<16xf32>
      %add3A_549 = arith.addf %scan3A_459, %mul3A_548 : vector<16xf32>
      %add3A_550 = arith.addf %scan3A_467, %get3A_544 : vector<16xf32>
      %mul3A_551 = arith.constant 16 : i32
      %mul3A_552 = arith.muli %scan3A_447, %mul3A_551 : i32
      %get3A_553 = arith.constant 4 : i32
      %get3A_554 = arith.index_cast %get3A_553 : i32 to index
      %get3A_555 = arith.index_cast %mul3A_552 : i32 to index
      %get3A_556 = tpu.vector_load %arg10[%get3A_554, %get3A_555] {strides = array<i32>} : memref<8x1920xf32, #tpu.memory_space<vmem>>, vector<1x16xf32>,
      %get3A_557 = vector.shape_cast %get3A_556 : vector<1x16xf32> to vector<16xf32>
      %mul3A_558 = arith.constant 16 : i32
      %mul3A_559 = arith.muli %scan3A_447, %mul3A_558 : i32
      %get3A_560 = arith.constant 4 : i32
      %get3A_561 = arith.index_cast %get3A_560 : i32 to index
      %get3A_562 = arith.index_cast %mul3A_559 : i32 to index
      %get3A_563 = tpu.vector_load %arg13[%get3A_561, %get3A_562] {strides = array<i32>} : memref<8x1920xf32, #tpu.memory_space<vmem>>, vector<1x16xf32>,
      %get3A_564 = vector.shape_cast %get3A_563 : vector<1x16xf32> to vector<16xf32>
      %sub3A_565 = arith.subf %get3A_557, %scan3A_216#4 : vector<16xf32>
      %exp3A_566 = math.exp %sub3A_565 : vector<16xf32>
      %add3A_567 = arith.addf %scan3A_452, %exp3A_566 : vector<16xf32>
      %mul3A_568 = arith.mulf %get3A_564, %get3A_557 : vector<16xf32>
      %add3A_569 = arith.addf %scan3A_460, %mul3A_568 : vector<16xf32>
      %add3A_570 = arith.addf %scan3A_468, %get3A_564 : vector<16xf32>
      %mul3A_571 = arith.constant 16 : i32
      %mul3A_572 = arith.muli %scan3A_447, %mul3A_571 : i32
      %get3A_573 = arith.constant 5 : i32
      %get3A_574 = arith.index_cast %get3A_573 : i32 to index
      %get3A_575 = arith.index_cast %mul3A_572 : i32 to index
      %get3A_576 = tpu.vector_load %arg10[%get3A_574, %get3A_575] {strides = array<i32>} : memref<8x1920xf32, #tpu.memory_space<vmem>>, vector<1x16xf32>,
      %get3A_577 = vector.shape_cast %get3A_576 : vector<1x16xf32> to vector<16xf32>
      %mul3A_578 = arith.constant 16 : i32
      %mul3A_579 = arith.muli %scan3A_447, %mul3A_578 : i32
      %get3A_580 = arith.constant 5 : i32
      %get3A_581 = arith.index_cast %get3A_580 : i32 to index
      %get3A_582 = arith.index_cast %mul3A_579 : i32 to index
      %get3A_583 = tpu.vector_load %arg13[%get3A_581, %get3A_582] {strides = array<i32>} : memref<8x1920xf32, #tpu.memory_space<vmem>>, vector<1x16xf32>,
      %get3A_584 = vector.shape_cast %get3A_583 : vector<1x16xf32> to vector<16xf32>
      %sub3A_585 = arith.subf %get3A_577, %scan3A_216#5 : vector<16xf32>
      %exp3A_586 = math.exp %sub3A_585 : vector<16xf32>
      %add3A_587 = arith.addf %scan3A_453, %exp3A_586 : vector<16xf32>
      %mul3A_588 = arith.mulf %get3A_584, %get3A_577 : vector<16xf32>
      %add3A_589 = arith.addf %scan3A_461, %mul3A_588 : vector<16xf32>
      %add3A_590 = arith.addf %scan3A_469, %get3A_584 : vector<16xf32>
      %mul3A_591 = arith.constant 16 : i32
      %mul3A_592 = arith.muli %scan3A_447, %mul3A_591 : i32
      %get3A_593 = arith.constant 6 : i32
      %get3A_594 = arith.index_cast %get3A_593 : i32 to index
      %get3A_595 = arith.index_cast %mul3A_592 : i32 to index
      %get3A_596 = tpu.vector_load %arg10[%get3A_594, %get3A_595] {strides = array<i32>} : memref<8x1920xf32, #tpu.memory_space<vmem>>, vector<1x16xf32>,
      %get3A_597 = vector.shape_cast %get3A_596 : vector<1x16xf32> to vector<16xf32>
      %mul3A_598 = arith.constant 16 : i32
      %mul3A_599 = arith.muli %scan3A_447, %mul3A_598 : i32
      %get3A_600 = arith.constant 6 : i32
      %get3A_601 = arith.index_cast %get3A_600 : i32 to index
      %get3A_602 = arith.index_cast %mul3A_599 : i32 to index
      %get3A_603 = tpu.vector_load %arg13[%get3A_601, %get3A_602] {strides = array<i32>} : memref<8x1920xf32, #tpu.memory_space<vmem>>, vector<1x16xf32>,
      %get3A_604 = vector.shape_cast %get3A_603 : vector<1x16xf32> to vector<16xf32>
      %sub3A_605 = arith.subf %get3A_597, %scan3A_216#6 : vector<16xf32>
      %exp3A_606 = math.exp %sub3A_605 : vector<16xf32>
      %add3A_607 = arith.addf %scan3A_454, %exp3A_606 : vector<16xf32>
      %mul3A_608 = arith.mulf %get3A_604, %get3A_597 : vector<16xf32>
      %add3A_609 = arith.addf %scan3A_462, %mul3A_608 : vector<16xf32>
      %add3A_610 = arith.addf %scan3A_470, %get3A_604 : vector<16xf32>
      %mul3A_611 = arith.constant 16 : i32
      %mul3A_612 = arith.muli %scan3A_447, %mul3A_611 : i32
      %get3A_613 = arith.constant 7 : i32
      %get3A_614 = arith.index_cast %get3A_613 : i32 to index
      %get3A_615 = arith.index_cast %mul3A_612 : i32 to index
      %get3A_616 = tpu.vector_load %arg10[%get3A_614, %get3A_615] {strides = array<i32>} : memref<8x1920xf32, #tpu.memory_space<vmem>>, vector<1x16xf32>,
      %get3A_617 = vector.shape_cast %get3A_616 : vector<1x16xf32> to vector<16xf32>
      %mul3A_618 = arith.constant 16 : i32
      %mul3A_619 = arith.muli %scan3A_447, %mul3A_618 : i32
      %get3A_620 = arith.constant 7 : i32
      %get3A_621 = arith.index_cast %get3A_620 : i32 to index
      %get3A_622 = arith.index_cast %mul3A_619 : i32 to index
      %get3A_623 = tpu.vector_load %arg13[%get3A_621, %get3A_622] {strides = array<i32>} : memref<8x1920xf32, #tpu.memory_space<vmem>>, vector<1x16xf32>,
      %get3A_624 = vector.shape_cast %get3A_623 : vector<1x16xf32> to vector<16xf32>
      %sub3A_625 = arith.subf %get3A_617, %scan3A_216#7 : vector<16xf32>
      %exp3A_626 = math.exp %sub3A_625 : vector<16xf32>
      %add3A_627 = arith.addf %scan3A_455, %exp3A_626 : vector<16xf32>
      %mul3A_628 = arith.mulf %get3A_624, %get3A_617 : vector<16xf32>
      %add3A_629 = arith.addf %scan3A_463, %mul3A_628 : vector<16xf32>
      %add3A_630 = arith.addf %scan3A_471, %get3A_624 : vector<16xf32>
      scf.yield %add3A_487, %add3A_507, %add3A_527, %add3A_547, %add3A_567, %add3A_587, %add3A_607, %add3A_627, %add3A_489, %add3A_509, %add3A_529, %add3A_549, %add3A_569, %add3A_589, %add3A_609, %add3A_629, %add3A_490, %add3A_510, %add3A_530, %add3A_550, %add3A_570, %add3A_590, %add3A_610, %add3A_630 : vector<16xf32>, vector<16xf32>, vector<16xf32>, vector<16xf32>, vector<16xf32>, vector<16xf32>, vector<16xf32>, vector<16xf32>, vector<16xf32>, vector<16xf32>, vector<16xf32>, vector<16xf32>, vector<16xf32>, vector<16xf32>, vector<16xf32>, vector<16xf32>, vector<16xf32>, vector<16xf32>, vector<16xf32>, vector<16xf32>, vector<16xf32>, vector<16xf32>, vector<16xf32>, vector<16xf32>
    }
    %scan3A_247 = arith.constant 120 : i32
    %swap3A = arith.constant 0 : i32
    %swap3A_248 = arith.index_cast %swap3A : i32 to index
    %swap3A_249 = arith.constant 0 : index
    %swap3A_250 = tpu.vector_load %arg14[%swap3A_248, %swap3A_249] {strides = array<i32>} : memref<8x16xf32, #tpu.memory_space<vmem>>, vector<1x16xf32>,
    %swap3A_251 = vector.shape_cast %swap3A_250 : vector<1x16xf32> to vector<16xf32>
    %swap3A_252 = vector.shape_cast %scan3A_216#0 : vector<16xf32> to vector<1x16xf32>
    tpu.vector_store %arg14[%swap3A_248, %swap3A_249], %swap3A_252 {strides = array<i32>} : memref<8x16xf32, #tpu.memory_space<vmem>>, vector<1x16xf32>,
    %swap3A_253 = arith.constant 1 : i32
    %swap3A_254 = arith.index_cast %swap3A_253 : i32 to index
    %swap3A_255 = arith.constant 0 : index
    %swap3A_256 = tpu.vector_load %arg14[%swap3A_254, %swap3A_255] {strides = array<i32>} : memref<8x16xf32, #tpu.memory_space<vmem>>, vector<1x16xf32>,
    %swap3A_257 = vector.shape_cast %swap3A_256 : vector<1x16xf32> to vector<16xf32>
    %swap3A_258 = vector.shape_cast %scan3A_216#1 : vector<16xf32> to vector<1x16xf32>
    tpu.vector_store %arg14[%swap3A_254, %swap3A_255], %swap3A_258 {strides = array<i32>} : memref<8x16xf32, #tpu.memory_space<vmem>>, vector<1x16xf32>,
    %swap3A_259 = arith.constant 2 : i32
    %swap3A_260 = arith.index_cast %swap3A_259 : i32 to index
    %swap3A_261 = arith.constant 0 : index
    %swap3A_262 = tpu.vector_load %arg14[%swap3A_260, %swap3A_261] {strides = array<i32>} : memref<8x16xf32, #tpu.memory_space<vmem>>, vector<1x16xf32>,
    %swap3A_263 = vector.shape_cast %swap3A_262 : vector<1x16xf32> to vector<16xf32>
    %swap3A_264 = vector.shape_cast %scan3A_216#2 : vector<16xf32> to vector<1x16xf32>
    tpu.vector_store %arg14[%swap3A_260, %swap3A_261], %swap3A_264 {strides = array<i32>} : memref<8x16xf32, #tpu.memory_space<vmem>>, vector<1x16xf32>,
    %swap3A_265 = arith.constant 3 : i32
    %swap3A_266 = arith.index_cast %swap3A_265 : i32 to index
    %swap3A_267 = arith.constant 0 : index
    %swap3A_268 = tpu.vector_load %arg14[%swap3A_266, %swap3A_267] {strides = array<i32>} : memref<8x16xf32, #tpu.memory_space<vmem>>, vector<1x16xf32>,
    %swap3A_269 = vector.shape_cast %swap3A_268 : vector<1x16xf32> to vector<16xf32>
    %swap3A_270 = vector.shape_cast %scan3A_216#3 : vector<16xf32> to vector<1x16xf32>
    tpu.vector_store %arg14[%swap3A_266, %swap3A_267], %swap3A_270 {strides = array<i32>} : memref<8x16xf32, #tpu.memory_space<vmem>>, vector<1x16xf32>,
    %swap3A_271 = arith.constant 4 : i32
    %swap3A_272 = arith.index_cast %swap3A_271 : i32 to index
    %swap3A_273 = arith.constant 0 : index
    %swap3A_274 = tpu.vector_load %arg14[%swap3A_272, %swap3A_273] {strides = array<i32>} : memref<8x16xf32, #tpu.memory_space<vmem>>, vector<1x16xf32>,
    %swap3A_275 = vector.shape_cast %swap3A_274 : vector<1x16xf32> to vector<16xf32>
    %swap3A_276 = vector.shape_cast %scan3A_216#4 : vector<16xf32> to vector<1x16xf32>
    tpu.vector_store %arg14[%swap3A_272, %swap3A_273], %swap3A_276 {strides = array<i32>} : memref<8x16xf32, #tpu.memory_space<vmem>>, vector<1x16xf32>,
    %swap3A_277 = arith.constant 5 : i32
    %swap3A_278 = arith.index_cast %swap3A_277 : i32 to index
    %swap3A_279 = arith.constant 0 : index
    %swap3A_280 = tpu.vector_load %arg14[%swap3A_278, %swap3A_279] {strides = array<i32>} : memref<8x16xf32, #tpu.memory_space<vmem>>, vector<1x16xf32>,
    %swap3A_281 = vector.shape_cast %swap3A_280 : vector<1x16xf32> to vector<16xf32>
    %swap3A_282 = vector.shape_cast %scan3A_216#5 : vector<16xf32> to vector<1x16xf32>
    tpu.vector_store %arg14[%swap3A_278, %swap3A_279], %swap3A_282 {strides = array<i32>} : memref<8x16xf32, #tpu.memory_space<vmem>>, vector<1x16xf32>,
    %swap3A_283 = arith.constant 6 : i32
    %swap3A_284 = arith.index_cast %swap3A_283 : i32 to index
    %swap3A_285 = arith.constant 0 : index
    %swap3A_286 = tpu.vector_load %arg14[%swap3A_284, %swap3A_285] {strides = array<i32>} : memref<8x16xf32, #tpu.memory_space<vmem>>, vector<1x16xf32>,
    %swap3A_287 = vector.shape_cast %swap3A_286 : vector<1x16xf32> to vector<16xf32>
    %swap3A_288 = vector.shape_cast %scan3A_216#6 : vector<16xf32> to vector<1x16xf32>
    tpu.vector_store %arg14[%swap3A_284, %swap3A_285], %swap3A_288 {strides = array<i32>} : memref<8x16xf32, #tpu.memory_space<vmem>>, vector<1x16xf32>,
    %swap3A_289 = arith.constant 7 : i32
    %swap3A_290 = arith.index_cast %swap3A_289 : i32 to index
    %swap3A_291 = arith.constant 0 : index
    %swap3A_292 = tpu.vector_load %arg14[%swap3A_290, %swap3A_291] {strides = array<i32>} : memref<8x16xf32, #tpu.memory_space<vmem>>, vector<1x16xf32>,
    %swap3A_293 = vector.shape_cast %swap3A_292 : vector<1x16xf32> to vector<16xf32>
    %swap3A_294 = vector.shape_cast %scan3A_216#7 : vector<16xf32> to vector<1x16xf32>
    tpu.vector_store %arg14[%swap3A_290, %swap3A_291], %swap3A_294 {strides = array<i32>} : memref<8x16xf32, #tpu.memory_space<vmem>>, vector<1x16xf32>,
    %mul3A_295 = arith.constant 8 : i32
    %mul3A_296 = arith.muli %add3A, %mul3A_295 : i32
    "tpu.region"() ({
      %run_scoped3A = tpu.sem_alloc : memref<!tpu.dma_semaphore, #tpu.memory_space<semaphore_mem>>
      %dma_start3A_447 = arith.constant 0 : i32
      %dma_start3A_448 = tpu.memref_slice %arg4[%mul3A_296, %dma_start3A_447] : memref<256x16xf32, #tpu.memory_space<hbm>> -> memref<8x16xf32, #tpu.memory_space<hbm>>
      %dma_start3A_449 = arith.constant 0 : i32
      %dma_start3A_450 = tpu.memref_slice %arg4[%mul3A_296, %dma_start3A_449] : memref<256x16xf32, #tpu.memory_space<hbm>> -> memref<8x16xf32, #tpu.memory_space<hbm>>
      tpu.enqueue_dma source(%arg14 : memref<8x16xf32, #tpu.memory_space<vmem>>) target(%dma_start3A_450 : memref<8x16xf32, #tpu.memory_space<hbm>>) target_semaphore(%run_scoped3A : memref<!tpu.dma_semaphore, #tpu.memory_space<semaphore_mem>>)
      %dma_wait3A_451 = arith.constant 0 : i32
      %dma_wait3A_452 = tpu.memref_slice %arg4[%mul3A_296, %dma_wait3A_451] : memref<256x16xf32, #tpu.memory_space<hbm>> -> memref<8x16xf32, #tpu.memory_space<hbm>>
      %dma_wait3A_453 = arith.constant 0 : i32
      %dma_wait3A_454 = tpu.memref_slice %arg4[%mul3A_296, %dma_wait3A_453] : memref<256x16xf32, #tpu.memory_space<hbm>> -> memref<8x16xf32, #tpu.memory_space<hbm>>
      tpu.wait_dma2 semaphore(%run_scoped3A : memref<!tpu.dma_semaphore, #tpu.memory_space<semaphore_mem>>) src(%arg14 : memref<8x16xf32, #tpu.memory_space<vmem>>) dst(%dma_wait3A_454 : memref<8x16xf32, #tpu.memory_space<hbm>>)
      tpu.yield
    }) : () -> ()
    %swap3A_297 = arith.constant 0 : i32
    %swap3A_298 = arith.index_cast %swap3A_297 : i32 to index
    %swap3A_299 = arith.constant 0 : index
    %swap3A_300 = tpu.vector_load %arg14[%swap3A_298, %swap3A_299] {strides = array<i32>} : memref<8x16xf32, #tpu.memory_space<vmem>>, vector<1x16xf32>,
    %swap3A_301 = vector.shape_cast %swap3A_300 : vector<1x16xf32> to vector<16xf32>
    %swap3A_302 = vector.shape_cast %scan3A_246#0 : vector<16xf32> to vector<1x16xf32>
    tpu.vector_store %arg14[%swap3A_298, %swap3A_299], %swap3A_302 {strides = array<i32>} : memref<8x16xf32, #tpu.memory_space<vmem>>, vector<1x16xf32>,
    %swap3A_303 = arith.constant 1 : i32
    %swap3A_304 = arith.index_cast %swap3A_303 : i32 to index
    %swap3A_305 = arith.constant 0 : index
    %swap3A_306 = tpu.vector_load %arg14[%swap3A_304, %swap3A_305] {strides = array<i32>} : memref<8x16xf32, #tpu.memory_space<vmem>>, vector<1x16xf32>,
    %swap3A_307 = vector.shape_cast %swap3A_306 : vector<1x16xf32> to vector<16xf32>
    %swap3A_308 = vector.shape_cast %scan3A_246#1 : vector<16xf32> to vector<1x16xf32>
    tpu.vector_store %arg14[%swap3A_304, %swap3A_305], %swap3A_308 {strides = array<i32>} : memref<8x16xf32, #tpu.memory_space<vmem>>, vector<1x16xf32>,
    %swap3A_309 = arith.constant 2 : i32
    %swap3A_310 = arith.index_cast %swap3A_309 : i32 to index
    %swap3A_311 = arith.constant 0 : index
    %swap3A_312 = tpu.vector_load %arg14[%swap3A_310, %swap3A_311] {strides = array<i32>} : memref<8x16xf32, #tpu.memory_space<vmem>>, vector<1x16xf32>,
    %swap3A_313 = vector.shape_cast %swap3A_312 : vector<1x16xf32> to vector<16xf32>
    %swap3A_314 = vector.shape_cast %scan3A_246#2 : vector<16xf32> to vector<1x16xf32>
    tpu.vector_store %arg14[%swap3A_310, %swap3A_311], %swap3A_314 {strides = array<i32>} : memref<8x16xf32, #tpu.memory_space<vmem>>, vector<1x16xf32>,
    %swap3A_315 = arith.constant 3 : i32
    %swap3A_316 = arith.index_cast %swap3A_315 : i32 to index
    %swap3A_317 = arith.constant 0 : index
    %swap3A_318 = tpu.vector_load %arg14[%swap3A_316, %swap3A_317] {strides = array<i32>} : memref<8x16xf32, #tpu.memory_space<vmem>>, vector<1x16xf32>,
    %swap3A_319 = vector.shape_cast %swap3A_318 : vector<1x16xf32> to vector<16xf32>
    %swap3A_320 = vector.shape_cast %scan3A_246#3 : vector<16xf32> to vector<1x16xf32>
    tpu.vector_store %arg14[%swap3A_316, %swap3A_317], %swap3A_320 {strides = array<i32>} : memref<8x16xf32, #tpu.memory_space<vmem>>, vector<1x16xf32>,
    %swap3A_321 = arith.constant 4 : i32
    %swap3A_322 = arith.index_cast %swap3A_321 : i32 to index
    %swap3A_323 = arith.constant 0 : index
    %swap3A_324 = tpu.vector_load %arg14[%swap3A_322, %swap3A_323] {strides = array<i32>} : memref<8x16xf32, #tpu.memory_space<vmem>>, vector<1x16xf32>,
    %swap3A_325 = vector.shape_cast %swap3A_324 : vector<1x16xf32> to vector<16xf32>
    %swap3A_326 = vector.shape_cast %scan3A_246#4 : vector<16xf32> to vector<1x16xf32>
    tpu.vector_store %arg14[%swap3A_322, %swap3A_323], %swap3A_326 {strides = array<i32>} : memref<8x16xf32, #tpu.memory_space<vmem>>, vector<1x16xf32>,
    %swap3A_327 = arith.constant 5 : i32
    %swap3A_328 = arith.index_cast %swap3A_327 : i32 to index
    %swap3A_329 = arith.constant 0 : index
    %swap3A_330 = tpu.vector_load %arg14[%swap3A_328, %swap3A_329] {strides = array<i32>} : memref<8x16xf32, #tpu.memory_space<vmem>>, vector<1x16xf32>,
    %swap3A_331 = vector.shape_cast %swap3A_330 : vector<1x16xf32> to vector<16xf32>
    %swap3A_332 = vector.shape_cast %scan3A_246#5 : vector<16xf32> to vector<1x16xf32>
    tpu.vector_store %arg14[%swap3A_328, %swap3A_329], %swap3A_332 {strides = array<i32>} : memref<8x16xf32, #tpu.memory_space<vmem>>, vector<1x16xf32>,
    %swap3A_333 = arith.constant 6 : i32
    %swap3A_334 = arith.index_cast %swap3A_333 : i32 to index
    %swap3A_335 = arith.constant 0 : index
    %swap3A_336 = tpu.vector_load %arg14[%swap3A_334, %swap3A_335] {strides = array<i32>} : memref<8x16xf32, #tpu.memory_space<vmem>>, vector<1x16xf32>,
    %swap3A_337 = vector.shape_cast %swap3A_336 : vector<1x16xf32> to vector<16xf32>
    %swap3A_338 = vector.shape_cast %scan3A_246#6 : vector<16xf32> to vector<1x16xf32>
    tpu.vector_store %arg14[%swap3A_334, %swap3A_335], %swap3A_338 {strides = array<i32>} : memref<8x16xf32, #tpu.memory_space<vmem>>, vector<1x16xf32>,
    %swap3A_339 = arith.constant 7 : i32
    %swap3A_340 = arith.index_cast %swap3A_339 : i32 to index
    %swap3A_341 = arith.constant 0 : index
    %swap3A_342 = tpu.vector_load %arg14[%swap3A_340, %swap3A_341] {strides = array<i32>} : memref<8x16xf32, #tpu.memory_space<vmem>>, vector<1x16xf32>,
    %swap3A_343 = vector.shape_cast %swap3A_342 : vector<1x16xf32> to vector<16xf32>
    %swap3A_344 = vector.shape_cast %scan3A_246#7 : vector<16xf32> to vector<1x16xf32>
    tpu.vector_store %arg14[%swap3A_340, %swap3A_341], %swap3A_344 {strides = array<i32>} : memref<8x16xf32, #tpu.memory_space<vmem>>, vector<1x16xf32>,
    %mul3A_345 = arith.constant 8 : i32
    %mul3A_346 = arith.muli %add3A, %mul3A_345 : i32
    "tpu.region"() ({
      %run_scoped3A = tpu.sem_alloc : memref<!tpu.dma_semaphore, #tpu.memory_space<semaphore_mem>>
      %dma_start3A_447 = arith.constant 0 : i32
      %dma_start3A_448 = tpu.memref_slice %arg5[%mul3A_346, %dma_start3A_447] : memref<256x16xf32, #tpu.memory_space<hbm>> -> memref<8x16xf32, #tpu.memory_space<hbm>>
      %dma_start3A_449 = arith.constant 0 : i32
      %dma_start3A_450 = tpu.memref_slice %arg5[%mul3A_346, %dma_start3A_449] : memref<256x16xf32, #tpu.memory_space<hbm>> -> memref<8x16xf32, #tpu.memory_space<hbm>>
      tpu.enqueue_dma source(%arg14 : memref<8x16xf32, #tpu.memory_space<vmem>>) target(%dma_start3A_450 : memref<8x16xf32, #tpu.memory_space<hbm>>) target_semaphore(%run_scoped3A : memref<!tpu.dma_semaphore, #tpu.memory_space<semaphore_mem>>)
      %dma_wait3A_451 = arith.constant 0 : i32
      %dma_wait3A_452 = tpu.memref_slice %arg5[%mul3A_346, %dma_wait3A_451] : memref<256x16xf32, #tpu.memory_space<hbm>> -> memref<8x16xf32, #tpu.memory_space<hbm>>
      %dma_wait3A_453 = arith.constant 0 : i32
      %dma_wait3A_454 = tpu.memref_slice %arg5[%mul3A_346, %dma_wait3A_453] : memref<256x16xf32, #tpu.memory_space<hbm>> -> memref<8x16xf32, #tpu.memory_space<hbm>>
      tpu.wait_dma2 semaphore(%run_scoped3A : memref<!tpu.dma_semaphore, #tpu.memory_space<semaphore_mem>>) src(%arg14 : memref<8x16xf32, #tpu.memory_space<vmem>>) dst(%dma_wait3A_454 : memref<8x16xf32, #tpu.memory_space<hbm>>)
      tpu.yield
    }) : () -> ()
    %swap3A_347 = arith.constant 0 : i32
    %swap3A_348 = arith.index_cast %swap3A_347 : i32 to index
    %swap3A_349 = arith.constant 0 : index
    %swap3A_350 = tpu.vector_load %arg14[%swap3A_348, %swap3A_349] {strides = array<i32>} : memref<8x16xf32, #tpu.memory_space<vmem>>, vector<1x16xf32>,
    %swap3A_351 = vector.shape_cast %swap3A_350 : vector<1x16xf32> to vector<16xf32>
    %swap3A_352 = vector.shape_cast %scan3A_246#8 : vector<16xf32> to vector<1x16xf32>
    tpu.vector_store %arg14[%swap3A_348, %swap3A_349], %swap3A_352 {strides = array<i32>} : memref<8x16xf32, #tpu.memory_space<vmem>>, vector<1x16xf32>,
    %swap3A_353 = arith.constant 1 : i32
    %swap3A_354 = arith.index_cast %swap3A_353 : i32 to index
    %swap3A_355 = arith.constant 0 : index
    %swap3A_356 = tpu.vector_load %arg14[%swap3A_354, %swap3A_355] {strides = array<i32>} : memref<8x16xf32, #tpu.memory_space<vmem>>, vector<1x16xf32>,
    %swap3A_357 = vector.shape_cast %swap3A_356 : vector<1x16xf32> to vector<16xf32>
    %swap3A_358 = vector.shape_cast %scan3A_246#9 : vector<16xf32> to vector<1x16xf32>
    tpu.vector_store %arg14[%swap3A_354, %swap3A_355], %swap3A_358 {strides = array<i32>} : memref<8x16xf32, #tpu.memory_space<vmem>>, vector<1x16xf32>,
    %swap3A_359 = arith.constant 2 : i32
    %swap3A_360 = arith.index_cast %swap3A_359 : i32 to index
    %swap3A_361 = arith.constant 0 : index
    %swap3A_362 = tpu.vector_load %arg14[%swap3A_360, %swap3A_361] {strides = array<i32>} : memref<8x16xf32, #tpu.memory_space<vmem>>, vector<1x16xf32>,
    %swap3A_363 = vector.shape_cast %swap3A_362 : vector<1x16xf32> to vector<16xf32>
    %swap3A_364 = vector.shape_cast %scan3A_246#10 : vector<16xf32> to vector<1x16xf32>
    tpu.vector_store %arg14[%swap3A_360, %swap3A_361], %swap3A_364 {strides = array<i32>} : memref<8x16xf32, #tpu.memory_space<vmem>>, vector<1x16xf32>,
    %swap3A_365 = arith.constant 3 : i32
    %swap3A_366 = arith.index_cast %swap3A_365 : i32 to index
    %swap3A_367 = arith.constant 0 : index
    %swap3A_368 = tpu.vector_load %arg14[%swap3A_366, %swap3A_367] {strides = array<i32>} : memref<8x16xf32, #tpu.memory_space<vmem>>, vector<1x16xf32>,
    %swap3A_369 = vector.shape_cast %swap3A_368 : vector<1x16xf32> to vector<16xf32>
    %swap3A_370 = vector.shape_cast %scan3A_246#11 : vector<16xf32> to vector<1x16xf32>
    tpu.vector_store %arg14[%swap3A_366, %swap3A_367], %swap3A_370 {strides = array<i32>} : memref<8x16xf32, #tpu.memory_space<vmem>>, vector<1x16xf32>,
    %swap3A_371 = arith.constant 4 : i32
    %swap3A_372 = arith.index_cast %swap3A_371 : i32 to index
    %swap3A_373 = arith.constant 0 : index
    %swap3A_374 = tpu.vector_load %arg14[%swap3A_372, %swap3A_373] {strides = array<i32>} : memref<8x16xf32, #tpu.memory_space<vmem>>, vector<1x16xf32>,
    %swap3A_375 = vector.shape_cast %swap3A_374 : vector<1x16xf32> to vector<16xf32>
    %swap3A_376 = vector.shape_cast %scan3A_246#12 : vector<16xf32> to vector<1x16xf32>
    tpu.vector_store %arg14[%swap3A_372, %swap3A_373], %swap3A_376 {strides = array<i32>} : memref<8x16xf32, #tpu.memory_space<vmem>>, vector<1x16xf32>,
    %swap3A_377 = arith.constant 5 : i32
    %swap3A_378 = arith.index_cast %swap3A_377 : i32 to index
    %swap3A_379 = arith.constant 0 : index
    %swap3A_380 = tpu.vector_load %arg14[%swap3A_378, %swap3A_379] {strides = array<i32>} : memref<8x16xf32, #tpu.memory_space<vmem>>, vector<1x16xf32>,
    %swap3A_381 = vector.shape_cast %swap3A_380 : vector<1x16xf32> to vector<16xf32>
    %swap3A_382 = vector.shape_cast %scan3A_246#13 : vector<16xf32> to vector<1x16xf32>
    tpu.vector_store %arg14[%swap3A_378, %swap3A_379], %swap3A_382 {strides = array<i32>} : memref<8x16xf32, #tpu.memory_space<vmem>>, vector<1x16xf32>,
    %swap3A_383 = arith.constant 6 : i32
    %swap3A_384 = arith.index_cast %swap3A_383 : i32 to index
    %swap3A_385 = arith.constant 0 : index
    %swap3A_386 = tpu.vector_load %arg14[%swap3A_384, %swap3A_385] {strides = array<i32>} : memref<8x16xf32, #tpu.memory_space<vmem>>, vector<1x16xf32>,
    %swap3A_387 = vector.shape_cast %swap3A_386 : vector<1x16xf32> to vector<16xf32>
    %swap3A_388 = vector.shape_cast %scan3A_246#14 : vector<16xf32> to vector<1x16xf32>
    tpu.vector_store %arg14[%swap3A_384, %swap3A_385], %swap3A_388 {strides = array<i32>} : memref<8x16xf32, #tpu.memory_space<vmem>>, vector<1x16xf32>,
    %swap3A_389 = arith.constant 7 : i32
    %swap3A_390 = arith.index_cast %swap3A_389 : i32 to index
    %swap3A_391 = arith.constant 0 : index
    %swap3A_392 = tpu.vector_load %arg14[%swap3A_390, %swap3A_391] {strides = array<i32>} : memref<8x16xf32, #tpu.memory_space<vmem>>, vector<1x16xf32>,
    %swap3A_393 = vector.shape_cast %swap3A_392 : vector<1x16xf32> to vector<16xf32>
    %swap3A_394 = vector.shape_cast %scan3A_246#15 : vector<16xf32> to vector<1x16xf32>
    tpu.vector_store %arg14[%swap3A_390, %swap3A_391], %swap3A_394 {strides = array<i32>} : memref<8x16xf32, #tpu.memory_space<vmem>>, vector<1x16xf32>,
    %mul3A_395 = arith.constant 8 : i32
    %mul3A_396 = arith.muli %add3A, %mul3A_395 : i32
    "tpu.region"() ({
      %run_scoped3A = tpu.sem_alloc : memref<!tpu.dma_semaphore, #tpu.memory_space<semaphore_mem>>
      %dma_start3A_447 = arith.constant 0 : i32
      %dma_start3A_448 = tpu.memref_slice %arg6[%mul3A_396, %dma_start3A_447] : memref<256x16xf32, #tpu.memory_space<hbm>> -> memref<8x16xf32, #tpu.memory_space<hbm>>
      %dma_start3A_449 = arith.constant 0 : i32
      %dma_start3A_450 = tpu.memref_slice %arg6[%mul3A_396, %dma_start3A_449] : memref<256x16xf32, #tpu.memory_space<hbm>> -> memref<8x16xf32, #tpu.memory_space<hbm>>
      tpu.enqueue_dma source(%arg14 : memref<8x16xf32, #tpu.memory_space<vmem>>) target(%dma_start3A_450 : memref<8x16xf32, #tpu.memory_space<hbm>>) target_semaphore(%run_scoped3A : memref<!tpu.dma_semaphore, #tpu.memory_space<semaphore_mem>>)
      %dma_wait3A_451 = arith.constant 0 : i32
      %dma_wait3A_452 = tpu.memref_slice %arg6[%mul3A_396, %dma_wait3A_451] : memref<256x16xf32, #tpu.memory_space<hbm>> -> memref<8x16xf32, #tpu.memory_space<hbm>>
      %dma_wait3A_453 = arith.constant 0 : i32
      %dma_wait3A_454 = tpu.memref_slice %arg6[%mul3A_396, %dma_wait3A_453] : memref<256x16xf32, #tpu.memory_space<hbm>> -> memref<8x16xf32, #tpu.memory_space<hbm>>
      tpu.wait_dma2 semaphore(%run_scoped3A : memref<!tpu.dma_semaphore, #tpu.memory_space<semaphore_mem>>) src(%arg14 : memref<8x16xf32, #tpu.memory_space<vmem>>) dst(%dma_wait3A_454 : memref<8x16xf32, #tpu.memory_space<hbm>>)
      tpu.yield
    }) : () -> ()
    %swap3A_397 = arith.constant 0 : i32
    %swap3A_398 = arith.index_cast %swap3A_397 : i32 to index
    %swap3A_399 = arith.constant 0 : index
    %swap3A_400 = tpu.vector_load %arg14[%swap3A_398, %swap3A_399] {strides = array<i32>} : memref<8x16xf32, #tpu.memory_space<vmem>>, vector<1x16xf32>,
    %swap3A_401 = vector.shape_cast %swap3A_400 : vector<1x16xf32> to vector<16xf32>
    %swap3A_402 = vector.shape_cast %scan3A_246#16 : vector<16xf32> to vector<1x16xf32>
    tpu.vector_store %arg14[%swap3A_398, %swap3A_399], %swap3A_402 {strides = array<i32>} : memref<8x16xf32, #tpu.memory_space<vmem>>, vector<1x16xf32>,
    %swap3A_403 = arith.constant 1 : i32
    %swap3A_404 = arith.index_cast %swap3A_403 : i32 to index
    %swap3A_405 = arith.constant 0 : index
    %swap3A_406 = tpu.vector_load %arg14[%swap3A_404, %swap3A_405] {strides = array<i32>} : memref<8x16xf32, #tpu.memory_space<vmem>>, vector<1x16xf32>,
    %swap3A_407 = vector.shape_cast %swap3A_406 : vector<1x16xf32> to vector<16xf32>
    %swap3A_408 = vector.shape_cast %scan3A_246#17 : vector<16xf32> to vector<1x16xf32>
    tpu.vector_store %arg14[%swap3A_404, %swap3A_405], %swap3A_408 {strides = array<i32>} : memref<8x16xf32, #tpu.memory_space<vmem>>, vector<1x16xf32>,
    %swap3A_409 = arith.constant 2 : i32
    %swap3A_410 = arith.index_cast %swap3A_409 : i32 to index
    %swap3A_411 = arith.constant 0 : index
    %swap3A_412 = tpu.vector_load %arg14[%swap3A_410, %swap3A_411] {strides = array<i32>} : memref<8x16xf32, #tpu.memory_space<vmem>>, vector<1x16xf32>,
    %swap3A_413 = vector.shape_cast %swap3A_412 : vector<1x16xf32> to vector<16xf32>
    %swap3A_414 = vector.shape_cast %scan3A_246#18 : vector<16xf32> to vector<1x16xf32>
    tpu.vector_store %arg14[%swap3A_410, %swap3A_411], %swap3A_414 {strides = array<i32>} : memref<8x16xf32, #tpu.memory_space<vmem>>, vector<1x16xf32>,
    %swap3A_415 = arith.constant 3 : i32
    %swap3A_416 = arith.index_cast %swap3A_415 : i32 to index
    %swap3A_417 = arith.constant 0 : index
    %swap3A_418 = tpu.vector_load %arg14[%swap3A_416, %swap3A_417] {strides = array<i32>} : memref<8x16xf32, #tpu.memory_space<vmem>>, vector<1x16xf32>,
    %swap3A_419 = vector.shape_cast %swap3A_418 : vector<1x16xf32> to vector<16xf32>
    %swap3A_420 = vector.shape_cast %scan3A_246#19 : vector<16xf32> to vector<1x16xf32>
    tpu.vector_store %arg14[%swap3A_416, %swap3A_417], %swap3A_420 {strides = array<i32>} : memref<8x16xf32, #tpu.memory_space<vmem>>, vector<1x16xf32>,
    %swap3A_421 = arith.constant 4 : i32
    %swap3A_422 = arith.index_cast %swap3A_421 : i32 to index
    %swap3A_423 = arith.constant 0 : index
    %swap3A_424 = tpu.vector_load %arg14[%swap3A_422, %swap3A_423] {strides = array<i32>} : memref<8x16xf32, #tpu.memory_space<vmem>>, vector<1x16xf32>,
    %swap3A_425 = vector.shape_cast %swap3A_424 : vector<1x16xf32> to vector<16xf32>
    %swap3A_426 = vector.shape_cast %scan3A_246#20 : vector<16xf32> to vector<1x16xf32>
    tpu.vector_store %arg14[%swap3A_422, %swap3A_423], %swap3A_426 {strides = array<i32>} : memref<8x16xf32, #tpu.memory_space<vmem>>, vector<1x16xf32>,
    %swap3A_427 = arith.constant 5 : i32
    %swap3A_428 = arith.index_cast %swap3A_427 : i32 to index
    %swap3A_429 = arith.constant 0 : index
    %swap3A_430 = tpu.vector_load %arg14[%swap3A_428, %swap3A_429] {strides = array<i32>} : memref<8x16xf32, #tpu.memory_space<vmem>>, vector<1x16xf32>,
    %swap3A_431 = vector.shape_cast %swap3A_430 : vector<1x16xf32> to vector<16xf32>
    %swap3A_432 = vector.shape_cast %scan3A_246#21 : vector<16xf32> to vector<1x16xf32>
    tpu.vector_store %arg14[%swap3A_428, %swap3A_429], %swap3A_432 {strides = array<i32>} : memref<8x16xf32, #tpu.memory_space<vmem>>, vector<1x16xf32>,
    %swap3A_433 = arith.constant 6 : i32
    %swap3A_434 = arith.index_cast %swap3A_433 : i32 to index
    %swap3A_435 = arith.constant 0 : index
    %swap3A_436 = tpu.vector_load %arg14[%swap3A_434, %swap3A_435] {strides = array<i32>} : memref<8x16xf32, #tpu.memory_space<vmem>>, vector<1x16xf32>,
    %swap3A_437 = vector.shape_cast %swap3A_436 : vector<1x16xf32> to vector<16xf32>
    %swap3A_438 = vector.shape_cast %scan3A_246#22 : vector<16xf32> to vector<1x16xf32>
    tpu.vector_store %arg14[%swap3A_434, %swap3A_435], %swap3A_438 {strides = array<i32>} : memref<8x16xf32, #tpu.memory_space<vmem>>, vector<1x16xf32>,
    %swap3A_439 = arith.constant 7 : i32
    %swap3A_440 = arith.index_cast %swap3A_439 : i32 to index
    %swap3A_441 = arith.constant 0 : index
    %swap3A_442 = tpu.vector_load %arg14[%swap3A_440, %swap3A_441] {strides = array<i32>} : memref<8x16xf32, #tpu.memory_space<vmem>>, vector<1x16xf32>,
    %swap3A_443 = vector.shape_cast %swap3A_442 : vector<1x16xf32> to vector<16xf32>
    %swap3A_444 = vector.shape_cast %scan3A_246#23 : vector<16xf32> to vector<1x16xf32>
    tpu.vector_store %arg14[%swap3A_440, %swap3A_441], %swap3A_444 {strides = array<i32>} : memref<8x16xf32, #tpu.memory_space<vmem>>, vector<1x16xf32>,
    %mul3A_445 = arith.constant 8 : i32
    %mul3A_446 = arith.muli %add3A, %mul3A_445 : i32
    "tpu.region"() ({
      %run_scoped3A = tpu.sem_alloc : memref<!tpu.dma_semaphore, #tpu.memory_space<semaphore_mem>>
      %dma_start3A_447 = arith.constant 0 : i32
      %dma_start3A_448 = tpu.memref_slice %arg7[%mul3A_446, %dma_start3A_447] : memref<256x16xf32, #tpu.memory_space<hbm>> -> memref<8x16xf32, #tpu.memory_space<hbm>>
      %dma_start3A_449 = arith.constant 0 : i32
      %dma_start3A_450 = tpu.memref_slice %arg7[%mul3A_446, %dma_start3A_449] : memref<256x16xf32, #tpu.memory_space<hbm>> -> memref<8x16xf32, #tpu.memory_space<hbm>>
      tpu.enqueue_dma source(%arg14 : memref<8x16xf32, #tpu.memory_space<vmem>>) target(%dma_start3A_450 : memref<8x16xf32, #tpu.memory_space<hbm>>) target_semaphore(%run_scoped3A : memref<!tpu.dma_semaphore, #tpu.memory_space<semaphore_mem>>)
      %dma_wait3A_451 = arith.constant 0 : i32
      %dma_wait3A_452 = tpu.memref_slice %arg7[%mul3A_446, %dma_wait3A_451] : memref<256x16xf32, #tpu.memory_space<hbm>> -> memref<8x16xf32, #tpu.memory_space<hbm>>
      %dma_wait3A_453 = arith.constant 0 : i32
      %dma_wait3A_454 = tpu.memref_slice %arg7[%mul3A_446, %dma_wait3A_453] : memref<256x16xf32, #tpu.memory_space<hbm>> -> memref<8x16xf32, #tpu.memory_space<hbm>>
      tpu.wait_dma2 semaphore(%run_scoped3A : memref<!tpu.dma_semaphore, #tpu.memory_space<semaphore_mem>>) src(%arg14 : memref<8x16xf32, #tpu.memory_space<vmem>>) dst(%dma_wait3A_454 : memref<8x16xf32, #tpu.memory_space<hbm>>)
      tpu.yield
    }) : () -> ()
    return
  }
}

module attributes {stable_mosaic.version = 14 : i64} {
  func.func @_tc_kernel(%arg0: i32, %arg1: memref<64x7680xf32, #tpu.memory_space<vmem>>, %arg2: memref<64x7680xf32, #tpu.memory_space<vmem>>, %arg3: memref<64x1xf32, #tpu.memory_space<vmem>>, %arg4: memref<64x1xf32, #tpu.memory_space<vmem>>, %arg5: memref<64x1xf32, #tpu.memory_space<vmem>>, %arg6: memref<64x1xf32, #tpu.memory_space<vmem>>, %arg7: memref<64x1xf32, #tpu.memory_space<vmem>>, %arg8: memref<64x1xf32, #tpu.memory_space<vmem>>, %arg9: memref<64x1xf32, #tpu.memory_space<vmem>>, %arg10: memref<64x1xf32, #tpu.memory_space<vmem>>) attributes {dimension_semantics = [#tpu.dimension_semantics<arbitrary>], iteration_bounds = array<i64: 10>, scalar_prefetch = 0 : i64, scratch_operands = 4 : i64, tpu.core_type = #tpu.core_type<tc>, window_params = [{transform_indices = @transform_0, window_bounds = array<i64: 64, 7680>}, {transform_indices = @transform_1, window_bounds = array<i64: 64, 7680>}, {pipeline_mode = #tpu.pipeline_mode<synchronous>, transform_indices = @transform_2, window_bounds = array<i64: 64, 1>}, {pipeline_mode = #tpu.pipeline_mode<synchronous>, transform_indices = @transform_3, window_bounds = array<i64: 64, 1>}, {pipeline_mode = #tpu.pipeline_mode<synchronous>, transform_indices = @transform_4, window_bounds = array<i64: 64, 1>}, {pipeline_mode = #tpu.pipeline_mode<synchronous>, transform_indices = @transform_5, window_bounds = array<i64: 64, 1>}]} {
    %eq3A = arith.constant 0 : i32
    %eq3A_0 = arith.cmpi eq, %arg0, %eq3A : i32
    %convert_element_type3A = arith.extui %eq3A_0 : i1 to i32
    %cond3A = arith.constant 0 : i32
    %cond3A_1 = arith.cmpi ne, %convert_element_type3A, %cond3A : i32
    scf.if %cond3A_1 {
      %broadcast_in_dim3A_50 = arith.constant -3.000000e+38 : f32
      %broadcast_in_dim3A_51 = vector.broadcast %broadcast_in_dim3A_50 : f32 to vector<64x1xf32>
      %swap3A_52 = arith.constant 0 : index
      %swap3A_53 = arith.constant 0 : index
      %swap3A_54 = vector.load %arg7[%swap3A_52, %swap3A_53] : memref<64x1xf32, #tpu.memory_space<vmem>>, vector<64x1xf32>
      tpu.vector_store %arg7[%swap3A_52, %swap3A_53], %broadcast_in_dim3A_51 {strides = array<i32>} : memref<64x1xf32, #tpu.memory_space<vmem>>, vector<64x1xf32>,
      %broadcast_in_dim3A_55 = arith.constant 0.000000e+00 : f32
      %broadcast_in_dim3A_56 = vector.broadcast %broadcast_in_dim3A_55 : f32 to vector<64x1xf32>
      %swap3A_57 = arith.constant 0 : index
      %swap3A_58 = arith.constant 0 : index
      %swap3A_59 = vector.load %arg8[%swap3A_57, %swap3A_58] : memref<64x1xf32, #tpu.memory_space<vmem>>, vector<64x1xf32>
      tpu.vector_store %arg8[%swap3A_57, %swap3A_58], %broadcast_in_dim3A_56 {strides = array<i32>} : memref<64x1xf32, #tpu.memory_space<vmem>>, vector<64x1xf32>,
      %broadcast_in_dim3A_60 = arith.constant 0.000000e+00 : f32
      %broadcast_in_dim3A_61 = vector.broadcast %broadcast_in_dim3A_60 : f32 to vector<64x1xf32>
      %swap3A_62 = arith.constant 0 : index
      %swap3A_63 = arith.constant 0 : index
      %swap3A_64 = vector.load %arg9[%swap3A_62, %swap3A_63] : memref<64x1xf32, #tpu.memory_space<vmem>>, vector<64x1xf32>
      tpu.vector_store %arg9[%swap3A_62, %swap3A_63], %broadcast_in_dim3A_61 {strides = array<i32>} : memref<64x1xf32, #tpu.memory_space<vmem>>, vector<64x1xf32>,
      %broadcast_in_dim3A_65 = arith.constant 0.000000e+00 : f32
      %broadcast_in_dim3A_66 = vector.broadcast %broadcast_in_dim3A_65 : f32 to vector<64x1xf32>
      %swap3A_67 = arith.constant 0 : index
      %swap3A_68 = arith.constant 0 : index
      %swap3A_69 = vector.load %arg10[%swap3A_67, %swap3A_68] : memref<64x1xf32, #tpu.memory_space<vmem>>, vector<64x1xf32>
      tpu.vector_store %arg10[%swap3A_67, %swap3A_68], %broadcast_in_dim3A_66 {strides = array<i32>} : memref<64x1xf32, #tpu.memory_space<vmem>>, vector<64x1xf32>,
    } else {
    }
    %get3A = arith.constant 0 : index
    %get3A_2 = arith.constant 0 : index
    %get3A_3 = vector.load %arg1[%get3A, %get3A_2] : memref<64x7680xf32, #tpu.memory_space<vmem>>, vector<64x7680xf32>
    %get3A_4 = arith.constant 0 : index
    %get3A_5 = arith.constant 0 : index
    %get3A_6 = vector.load %arg2[%get3A_4, %get3A_5] : memref<64x7680xf32, #tpu.memory_space<vmem>>, vector<64x7680xf32>
    %get3A_7 = arith.constant 0 : index
    %get3A_8 = arith.constant 0 : index
    %get3A_9 = vector.load %arg7[%get3A_7, %get3A_8] : memref<64x1xf32, #tpu.memory_space<vmem>>, vector<64x1xf32>
    %reduce_max3A = arith.constant dense<0xFF800000> : vector<64xf32>
    %reduce_max3A_10 = vector.multi_reduction <maximumf>, %get3A_3, %reduce_max3A [1] : vector<64x7680xf32> to vector<64xf32>
    %broadcast_in_dim3A = vector.shape_cast %reduce_max3A_10 : vector<64xf32> to vector<64x1xf32>
    %max3A = arith.maximumf %get3A_9, %broadcast_in_dim3A : vector<64x1xf32>
    %get3A_11 = arith.constant 0 : index
    %get3A_12 = arith.constant 0 : index
    %get3A_13 = vector.load %arg8[%get3A_11, %get3A_12] : memref<64x1xf32, #tpu.memory_space<vmem>>, vector<64x1xf32>
    %sub3A = arith.subf %get3A_9, %max3A : vector<64x1xf32>
    %exp3A = math.exp %sub3A : vector<64x1xf32>
    %mul3A = arith.mulf %get3A_13, %exp3A : vector<64x1xf32>
    %sub3A_14 = vector.broadcast %max3A : vector<64x1xf32> to vector<64x7680xf32>
    %sub3A_15 = arith.subf %get3A_3, %sub3A_14 : vector<64x7680xf32>
    %exp3A_16 = math.exp %sub3A_15 : vector<64x7680xf32>
    %reduce_sum3A = arith.constant dense<0.000000e+00> : vector<64xf32>
    %reduce_sum3A_17 = vector.multi_reduction <add>, %exp3A_16, %reduce_sum3A [1] : vector<64x7680xf32> to vector<64xf32>
    %broadcast_in_dim3A_18 = vector.shape_cast %reduce_sum3A_17 : vector<64xf32> to vector<64x1xf32>
    %add3A = arith.addf %mul3A, %broadcast_in_dim3A_18 : vector<64x1xf32>
    %swap3A = arith.constant 0 : index
    %swap3A_19 = arith.constant 0 : index
    %swap3A_20 = vector.load %arg8[%swap3A, %swap3A_19] : memref<64x1xf32, #tpu.memory_space<vmem>>, vector<64x1xf32>
    tpu.vector_store %arg8[%swap3A, %swap3A_19], %add3A {strides = array<i32>} : memref<64x1xf32, #tpu.memory_space<vmem>>, vector<64x1xf32>,
    %swap3A_21 = arith.constant 0 : index
    %swap3A_22 = arith.constant 0 : index
    %swap3A_23 = vector.load %arg7[%swap3A_21, %swap3A_22] : memref<64x1xf32, #tpu.memory_space<vmem>>, vector<64x1xf32>
    tpu.vector_store %arg7[%swap3A_21, %swap3A_22], %max3A {strides = array<i32>} : memref<64x1xf32, #tpu.memory_space<vmem>>, vector<64x1xf32>,
    %get3A_24 = arith.constant 0 : index
    %get3A_25 = arith.constant 0 : index
    %get3A_26 = vector.load %arg9[%get3A_24, %get3A_25] : memref<64x1xf32, #tpu.memory_space<vmem>>, vector<64x1xf32>
    %mul3A_27 = arith.mulf %get3A_6, %get3A_3 : vector<64x7680xf32>
    %reduce_sum3A_28 = arith.constant dense<0.000000e+00> : vector<64xf32>
    %reduce_sum3A_29 = vector.multi_reduction <add>, %mul3A_27, %reduce_sum3A_28 [1] : vector<64x7680xf32> to vector<64xf32>
    %broadcast_in_dim3A_30 = vector.shape_cast %reduce_sum3A_29 : vector<64xf32> to vector<64x1xf32>
    %add3A_31 = arith.addf %get3A_26, %broadcast_in_dim3A_30 : vector<64x1xf32>
    %swap3A_32 = arith.constant 0 : index
    %swap3A_33 = arith.constant 0 : index
    %swap3A_34 = vector.load %arg9[%swap3A_32, %swap3A_33] : memref<64x1xf32, #tpu.memory_space<vmem>>, vector<64x1xf32>
    tpu.vector_store %arg9[%swap3A_32, %swap3A_33], %add3A_31 {strides = array<i32>} : memref<64x1xf32, #tpu.memory_space<vmem>>, vector<64x1xf32>,
    %get3A_35 = arith.constant 0 : index
    %get3A_36 = arith.constant 0 : index
    %get3A_37 = vector.load %arg10[%get3A_35, %get3A_36] : memref<64x1xf32, #tpu.memory_space<vmem>>, vector<64x1xf32>
    %reduce_sum3A_38 = arith.constant dense<0.000000e+00> : vector<64xf32>
    %reduce_sum3A_39 = vector.multi_reduction <add>, %get3A_6, %reduce_sum3A_38 [1] : vector<64x7680xf32> to vector<64xf32>
    %broadcast_in_dim3A_40 = vector.shape_cast %reduce_sum3A_39 : vector<64xf32> to vector<64x1xf32>
    %add3A_41 = arith.addf %get3A_37, %broadcast_in_dim3A_40 : vector<64x1xf32>
    %swap3A_42 = arith.constant 0 : index
    %swap3A_43 = arith.constant 0 : index
    %swap3A_44 = vector.load %arg10[%swap3A_42, %swap3A_43] : memref<64x1xf32, #tpu.memory_space<vmem>>, vector<64x1xf32>
    tpu.vector_store %arg10[%swap3A_42, %swap3A_43], %add3A_41 {strides = array<i32>} : memref<64x1xf32, #tpu.memory_space<vmem>>, vector<64x1xf32>,
    %eq3A_45 = arith.constant 9 : i32
    %eq3A_46 = arith.cmpi eq, %arg0, %eq3A_45 : i32
    %convert_element_type3A_47 = arith.extui %eq3A_46 : i1 to i32
    %cond3A_48 = arith.constant 0 : i32
    %cond3A_49 = arith.cmpi ne, %convert_element_type3A_47, %cond3A_48 : i32
    scf.if %cond3A_49 {
      %get3A_50 = arith.constant 0 : index
      %get3A_51 = arith.constant 0 : index
      %get3A_52 = vector.load %arg7[%get3A_50, %get3A_51] : memref<64x1xf32, #tpu.memory_space<vmem>>, vector<64x1xf32>
      %swap3A_53 = arith.constant 0 : index
      %swap3A_54 = arith.constant 0 : index
      %swap3A_55 = vector.load %arg3[%swap3A_53, %swap3A_54] : memref<64x1xf32, #tpu.memory_space<vmem>>, vector<64x1xf32>
      tpu.vector_store %arg3[%swap3A_53, %swap3A_54], %get3A_52 {strides = array<i32>} : memref<64x1xf32, #tpu.memory_space<vmem>>, vector<64x1xf32>,
      %get3A_56 = arith.constant 0 : index
      %get3A_57 = arith.constant 0 : index
      %get3A_58 = vector.load %arg8[%get3A_56, %get3A_57] : memref<64x1xf32, #tpu.memory_space<vmem>>, vector<64x1xf32>
      %swap3A_59 = arith.constant 0 : index
      %swap3A_60 = arith.constant 0 : index
      %swap3A_61 = vector.load %arg4[%swap3A_59, %swap3A_60] : memref<64x1xf32, #tpu.memory_space<vmem>>, vector<64x1xf32>
      tpu.vector_store %arg4[%swap3A_59, %swap3A_60], %get3A_58 {strides = array<i32>} : memref<64x1xf32, #tpu.memory_space<vmem>>, vector<64x1xf32>,
      %get3A_62 = arith.constant 0 : index
      %get3A_63 = arith.constant 0 : index
      %get3A_64 = vector.load %arg9[%get3A_62, %get3A_63] : memref<64x1xf32, #tpu.memory_space<vmem>>, vector<64x1xf32>
      %swap3A_65 = arith.constant 0 : index
      %swap3A_66 = arith.constant 0 : index
      %swap3A_67 = vector.load %arg5[%swap3A_65, %swap3A_66] : memref<64x1xf32, #tpu.memory_space<vmem>>, vector<64x1xf32>
      tpu.vector_store %arg5[%swap3A_65, %swap3A_66], %get3A_64 {strides = array<i32>} : memref<64x1xf32, #tpu.memory_space<vmem>>, vector<64x1xf32>,
      %get3A_68 = arith.constant 0 : index
      %get3A_69 = arith.constant 0 : index
      %get3A_70 = vector.load %arg10[%get3A_68, %get3A_69] : memref<64x1xf32, #tpu.memory_space<vmem>>, vector<64x1xf32>
      %swap3A_71 = arith.constant 0 : index
      %swap3A_72 = arith.constant 0 : index
      %swap3A_73 = vector.load %arg6[%swap3A_71, %swap3A_72] : memref<64x1xf32, #tpu.memory_space<vmem>>, vector<64x1xf32>
      tpu.vector_store %arg6[%swap3A_71, %swap3A_72], %get3A_70 {strides = array<i32>} : memref<64x1xf32, #tpu.memory_space<vmem>>, vector<64x1xf32>,
    } else {
    }
    return
  }
  func.func @transform_0(%arg0: i32) -> (i32, i32) {
    %c0_i32 = arith.constant 0 : i32
    %c0_i32_0 = arith.constant 0 : i32
    return %c0_i32, %arg0 : i32, i32
  }
  func.func @transform_1(%arg0: i32) -> (i32, i32) {
    %c0_i32 = arith.constant 0 : i32
    %c0_i32_0 = arith.constant 0 : i32
    return %c0_i32, %arg0 : i32, i32
  }
  func.func @transform_2(%arg0: i32) -> (i32, i32) {
    %c0_i32 = arith.constant 0 : i32
    %c0_i32_0 = arith.constant 0 : i32
    %c0_i32_1 = arith.constant 0 : i32
    return %c0_i32, %c0_i32_0 : i32, i32
  }
  func.func @transform_3(%arg0: i32) -> (i32, i32) {
    %c0_i32 = arith.constant 0 : i32
    %c0_i32_0 = arith.constant 0 : i32
    %c0_i32_1 = arith.constant 0 : i32
    return %c0_i32, %c0_i32_0 : i32, i32
  }
  func.func @transform_4(%arg0: i32) -> (i32, i32) {
    %c0_i32 = arith.constant 0 : i32
    %c0_i32_0 = arith.constant 0 : i32
    %c0_i32_1 = arith.constant 0 : i32
    return %c0_i32, %c0_i32_0 : i32, i32
  }
  func.func @transform_5(%arg0: i32) -> (i32, i32) {
    %c0_i32 = arith.constant 0 : i32
    %c0_i32_0 = arith.constant 0 : i32
    %c0_i32_1 = arith.constant 0 : i32
    return %c0_i32, %c0_i32_0 : i32, i32
  }
}

module attributes {stable_mosaic.version = 14 : i64} {
  func.func @_merge_kernel(%arg0: i32, %arg1: memref<64x256xf32, #tpu.memory_space<vmem>>, %arg2: memref<64x256xf32, #tpu.memory_space<vmem>>, %arg3: memref<256x16xf32, #tpu.memory_space<vmem>>, %arg4: memref<256x16xf32, #tpu.memory_space<vmem>>, %arg5: memref<256x16xf32, #tpu.memory_space<vmem>>, %arg6: memref<256x16xf32, #tpu.memory_space<vmem>>, %arg7: memref<64x1xf32, #tpu.memory_space<vmem>>, %arg8: memref<64x1xf32, #tpu.memory_space<vmem>>, %arg9: memref<64x1xf32, #tpu.memory_space<vmem>>, %arg10: memref<64x1xf32, #tpu.memory_space<vmem>>, %arg11: memref<2xf32, #tpu.memory_space<smem>>, %arg12: memref<64x1xf32, #tpu.memory_space<vmem>>) attributes {dimension_semantics = [#tpu.dimension_semantics<arbitrary>], iteration_bounds = array<i64: 1>, scalar_prefetch = 0 : i64, scratch_operands = 0 : i64, tpu.core_type = #tpu.core_type<tc>, window_params = [{transform_indices = @transform_0, window_bounds = array<i64: 64, 256>}, {transform_indices = @transform_1, window_bounds = array<i64: 64, 256>}, {pipeline_mode = #tpu.pipeline_mode<synchronous>, transform_indices = @transform_2, window_bounds = array<i64: 256, 16>}, {pipeline_mode = #tpu.pipeline_mode<synchronous>, transform_indices = @transform_3, window_bounds = array<i64: 256, 16>}, {pipeline_mode = #tpu.pipeline_mode<synchronous>, transform_indices = @transform_4, window_bounds = array<i64: 256, 16>}, {pipeline_mode = #tpu.pipeline_mode<synchronous>, transform_indices = @transform_5, window_bounds = array<i64: 256, 16>}, {pipeline_mode = #tpu.pipeline_mode<synchronous>, transform_indices = @transform_6, window_bounds = array<i64: 64, 1>}, {pipeline_mode = #tpu.pipeline_mode<synchronous>, transform_indices = @transform_7, window_bounds = array<i64: 64, 1>}, {pipeline_mode = #tpu.pipeline_mode<synchronous>, transform_indices = @transform_8, window_bounds = array<i64: 64, 1>}, {pipeline_mode = #tpu.pipeline_mode<synchronous>, transform_indices = @transform_9, window_bounds = array<i64: 64, 1>}, {transform_indices = @transform_10, window_bounds = array<i64: 2>}, {pipeline_mode = #tpu.pipeline_mode<synchronous>, transform_indices = @transform_11, window_bounds = array<i64: 64, 1>}]} {
    %get3A = arith.constant 0 : index
    %get3A_0 = arith.constant 0 : index
    %get3A_1 = vector.load %arg1[%get3A, %get3A_0] : memref<64x256xf32, #tpu.memory_space<vmem>>, vector<64x256xf32>
    %get3A_2 = arith.constant 0 : index
    %get3A_3 = arith.constant 0 : index
    %get3A_4 = vector.load %arg2[%get3A_2, %get3A_3] : memref<64x256xf32, #tpu.memory_space<vmem>>, vector<64x256xf32>
    %iota3A = tpu.iota {dimensions = array<i32: 1>} : vector<64x256xi32>
    %add3A = arith.constant 99840 : i32
    %add3A_5 = vector.broadcast %add3A : i32 to vector<64x256xi32>
    %add3A_6 = arith.addi %add3A_5, %iota3A : vector<64x256xi32>
    %lt3A = arith.constant 100000 : i32
    %lt3A_7 = vector.broadcast %lt3A : i32 to vector<64x256xi32>
    %lt3A_8 = arith.cmpi slt, %add3A_6, %lt3A_7 : vector<64x256xi32>
    %jit3A = arith.constant -3.000000e+38 : f32
    %broadcast_in_dim3A = vector.broadcast %jit3A : f32 to vector<64x256xf32>
    %select_n3A = arith.select %lt3A_8, %get3A_1, %broadcast_in_dim3A : vector<64x256xi1>, vector<64x256xf32>
    %jit3A_9 = arith.constant 0.000000e+00 : f32
    %broadcast_in_dim3A_10 = vector.broadcast %jit3A_9 : f32 to vector<64x256xf32>
    %select_n3A_11 = arith.select %lt3A_8, %get3A_4, %broadcast_in_dim3A_10 : vector<64x256xi1>, vector<64x256xf32>
    %get3A_12 = arith.constant 0 : index
    %get3A_13 = arith.constant 0 : index
    %get3A_14 = vector.load %arg7[%get3A_12, %get3A_13] : memref<64x1xf32, #tpu.memory_space<vmem>>, vector<64x1xf32>
    %reduce_max3A = arith.constant dense<0xFF800000> : vector<64xf32>
    %reduce_max3A_15 = vector.multi_reduction <maximumf>, %select_n3A, %reduce_max3A [1] : vector<64x256xf32> to vector<64xf32>
    %broadcast_in_dim3A_16 = vector.shape_cast %reduce_max3A_15 : vector<64xf32> to vector<64x1xf32>
    %max3A = arith.maximumf %get3A_14, %broadcast_in_dim3A_16 : vector<64x1xf32>
    %get3A_17 = arith.constant 0 : index
    %get3A_18 = arith.constant 0 : index
    %get3A_19 = vector.load %arg3[%get3A_17, %get3A_18] : memref<256x16xf32, #tpu.memory_space<vmem>>, vector<64x16xf32>
    %reduce_max3A_20 = arith.constant dense<0xFF800000> : vector<64xf32>
    %reduce_max3A_21 = vector.multi_reduction <maximumf>, %get3A_19, %reduce_max3A_20 [1] : vector<64x16xf32> to vector<64xf32>
    %broadcast_in_dim3A_22 = vector.shape_cast %reduce_max3A_21 : vector<64xf32> to vector<64x1xf32>
    %max3A_23 = arith.maximumf %max3A, %broadcast_in_dim3A_22 : vector<64x1xf32>
    %get3A_24 = arith.constant 64 : index
    %get3A_25 = arith.constant 0 : index
    %get3A_26 = vector.load %arg3[%get3A_24, %get3A_25] : memref<256x16xf32, #tpu.memory_space<vmem>>, vector<64x16xf32>
    %reduce_max3A_27 = arith.constant dense<0xFF800000> : vector<64xf32>
    %reduce_max3A_28 = vector.multi_reduction <maximumf>, %get3A_26, %reduce_max3A_27 [1] : vector<64x16xf32> to vector<64xf32>
    %broadcast_in_dim3A_29 = vector.shape_cast %reduce_max3A_28 : vector<64xf32> to vector<64x1xf32>
    %max3A_30 = arith.maximumf %max3A_23, %broadcast_in_dim3A_29 : vector<64x1xf32>
    %get3A_31 = arith.constant 128 : index
    %get3A_32 = arith.constant 0 : index
    %get3A_33 = vector.load %arg3[%get3A_31, %get3A_32] : memref<256x16xf32, #tpu.memory_space<vmem>>, vector<64x16xf32>
    %reduce_max3A_34 = arith.constant dense<0xFF800000> : vector<64xf32>
    %reduce_max3A_35 = vector.multi_reduction <maximumf>, %get3A_33, %reduce_max3A_34 [1] : vector<64x16xf32> to vector<64xf32>
    %broadcast_in_dim3A_36 = vector.shape_cast %reduce_max3A_35 : vector<64xf32> to vector<64x1xf32>
    %max3A_37 = arith.maximumf %max3A_30, %broadcast_in_dim3A_36 : vector<64x1xf32>
    %get3A_38 = arith.constant 192 : index
    %get3A_39 = arith.constant 0 : index
    %get3A_40 = vector.load %arg3[%get3A_38, %get3A_39] : memref<256x16xf32, #tpu.memory_space<vmem>>, vector<64x16xf32>
    %reduce_max3A_41 = arith.constant dense<0xFF800000> : vector<64xf32>
    %reduce_max3A_42 = vector.multi_reduction <maximumf>, %get3A_40, %reduce_max3A_41 [1] : vector<64x16xf32> to vector<64xf32>
    %broadcast_in_dim3A_43 = vector.shape_cast %reduce_max3A_42 : vector<64xf32> to vector<64x1xf32>
    %max3A_44 = arith.maximumf %max3A_37, %broadcast_in_dim3A_43 : vector<64x1xf32>
    %get3A_45 = arith.constant 0 : index
    %get3A_46 = arith.constant 0 : index
    %get3A_47 = vector.load %arg8[%get3A_45, %get3A_46] : memref<64x1xf32, #tpu.memory_space<vmem>>, vector<64x1xf32>
    %get3A_48 = arith.constant 0 : index
    %get3A_49 = arith.constant 0 : index
    %get3A_50 = vector.load %arg7[%get3A_48, %get3A_49] : memref<64x1xf32, #tpu.memory_space<vmem>>, vector<64x1xf32>
    %sub3A = arith.subf %get3A_50, %max3A_44 : vector<64x1xf32>
    %exp3A = math.exp %sub3A : vector<64x1xf32>
    %mul3A = arith.mulf %get3A_47, %exp3A : vector<64x1xf32>
    %sub3A_51 = vector.broadcast %max3A_44 : vector<64x1xf32> to vector<64x256xf32>
    %sub3A_52 = arith.subf %select_n3A, %sub3A_51 : vector<64x256xf32>
    %exp3A_53 = math.exp %sub3A_52 : vector<64x256xf32>
    %reduce_sum3A = arith.constant dense<0.000000e+00> : vector<64xf32>
    %reduce_sum3A_54 = vector.multi_reduction <add>, %exp3A_53, %reduce_sum3A [1] : vector<64x256xf32> to vector<64xf32>
    %broadcast_in_dim3A_55 = vector.shape_cast %reduce_sum3A_54 : vector<64xf32> to vector<64x1xf32>
    %add3A_56 = arith.addf %mul3A, %broadcast_in_dim3A_55 : vector<64x1xf32>
    %get3A_57 = arith.constant 0 : index
    %get3A_58 = arith.constant 0 : index
    %get3A_59 = vector.load %arg9[%get3A_57, %get3A_58] : memref<64x1xf32, #tpu.memory_space<vmem>>, vector<64x1xf32>
    %mul3A_60 = arith.mulf %select_n3A_11, %get3A_1 : vector<64x256xf32>
    %reduce_sum3A_61 = arith.constant dense<0.000000e+00> : vector<64xf32>
    %reduce_sum3A_62 = vector.multi_reduction <add>, %mul3A_60, %reduce_sum3A_61 [1] : vector<64x256xf32> to vector<64xf32>
    %broadcast_in_dim3A_63 = vector.shape_cast %reduce_sum3A_62 : vector<64xf32> to vector<64x1xf32>
    %add3A_64 = arith.addf %get3A_59, %broadcast_in_dim3A_63 : vector<64x1xf32>
    %get3A_65 = arith.constant 0 : index
    %get3A_66 = arith.constant 0 : index
    %get3A_67 = vector.load %arg10[%get3A_65, %get3A_66] : memref<64x1xf32, #tpu.memory_space<vmem>>, vector<64x1xf32>
    %reduce_sum3A_68 = arith.constant dense<0.000000e+00> : vector<64xf32>
    %reduce_sum3A_69 = vector.multi_reduction <add>, %select_n3A_11, %reduce_sum3A_68 [1] : vector<64x256xf32> to vector<64xf32>
    %broadcast_in_dim3A_70 = vector.shape_cast %reduce_sum3A_69 : vector<64xf32> to vector<64x1xf32>
    %add3A_71 = arith.addf %get3A_67, %broadcast_in_dim3A_70 : vector<64x1xf32>
    %get3A_72 = arith.constant 0 : index
    %get3A_73 = arith.constant 0 : index
    %get3A_74 = vector.load %arg4[%get3A_72, %get3A_73] : memref<256x16xf32, #tpu.memory_space<vmem>>, vector<64x16xf32>
    %sub3A_75 = vector.broadcast %max3A_44 : vector<64x1xf32> to vector<64x16xf32>
    %sub3A_76 = arith.subf %get3A_19, %sub3A_75 : vector<64x16xf32>
    %exp3A_77 = math.exp %sub3A_76 : vector<64x16xf32>
    %mul3A_78 = arith.mulf %get3A_74, %exp3A_77 : vector<64x16xf32>
    %reduce_sum3A_79 = arith.constant dense<0.000000e+00> : vector<64xf32>
    %reduce_sum3A_80 = vector.multi_reduction <add>, %mul3A_78, %reduce_sum3A_79 [1] : vector<64x16xf32> to vector<64xf32>
    %broadcast_in_dim3A_81 = vector.shape_cast %reduce_sum3A_80 : vector<64xf32> to vector<64x1xf32>
    %add3A_82 = arith.addf %add3A_56, %broadcast_in_dim3A_81 : vector<64x1xf32>
    %get3A_83 = arith.constant 0 : index
    %get3A_84 = arith.constant 0 : index
    %get3A_85 = vector.load %arg5[%get3A_83, %get3A_84] : memref<256x16xf32, #tpu.memory_space<vmem>>, vector<64x16xf32>
    %reduce_sum3A_86 = arith.constant dense<0.000000e+00> : vector<64xf32>
    %reduce_sum3A_87 = vector.multi_reduction <add>, %get3A_85, %reduce_sum3A_86 [1] : vector<64x16xf32> to vector<64xf32>
    %broadcast_in_dim3A_88 = vector.shape_cast %reduce_sum3A_87 : vector<64xf32> to vector<64x1xf32>
    %add3A_89 = arith.addf %add3A_64, %broadcast_in_dim3A_88 : vector<64x1xf32>
    %get3A_90 = arith.constant 0 : index
    %get3A_91 = arith.constant 0 : index
    %get3A_92 = vector.load %arg6[%get3A_90, %get3A_91] : memref<256x16xf32, #tpu.memory_space<vmem>>, vector<64x16xf32>
    %reduce_sum3A_93 = arith.constant dense<0.000000e+00> : vector<64xf32>
    %reduce_sum3A_94 = vector.multi_reduction <add>, %get3A_92, %reduce_sum3A_93 [1] : vector<64x16xf32> to vector<64xf32>
    %broadcast_in_dim3A_95 = vector.shape_cast %reduce_sum3A_94 : vector<64xf32> to vector<64x1xf32>
    %add3A_96 = arith.addf %add3A_71, %broadcast_in_dim3A_95 : vector<64x1xf32>
    %get3A_97 = arith.constant 64 : index
    %get3A_98 = arith.constant 0 : index
    %get3A_99 = vector.load %arg4[%get3A_97, %get3A_98] : memref<256x16xf32, #tpu.memory_space<vmem>>, vector<64x16xf32>
    %sub3A_100 = vector.broadcast %max3A_44 : vector<64x1xf32> to vector<64x16xf32>
    %sub3A_101 = arith.subf %get3A_26, %sub3A_100 : vector<64x16xf32>
    %exp3A_102 = math.exp %sub3A_101 : vector<64x16xf32>
    %mul3A_103 = arith.mulf %get3A_99, %exp3A_102 : vector<64x16xf32>
    %reduce_sum3A_104 = arith.constant dense<0.000000e+00> : vector<64xf32>
    %reduce_sum3A_105 = vector.multi_reduction <add>, %mul3A_103, %reduce_sum3A_104 [1] : vector<64x16xf32> to vector<64xf32>
    %broadcast_in_dim3A_106 = vector.shape_cast %reduce_sum3A_105 : vector<64xf32> to vector<64x1xf32>
    %add3A_107 = arith.addf %add3A_82, %broadcast_in_dim3A_106 : vector<64x1xf32>
    %get3A_108 = arith.constant 64 : index
    %get3A_109 = arith.constant 0 : index
    %get3A_110 = vector.load %arg5[%get3A_108, %get3A_109] : memref<256x16xf32, #tpu.memory_space<vmem>>, vector<64x16xf32>
    %reduce_sum3A_111 = arith.constant dense<0.000000e+00> : vector<64xf32>
    %reduce_sum3A_112 = vector.multi_reduction <add>, %get3A_110, %reduce_sum3A_111 [1] : vector<64x16xf32> to vector<64xf32>
    %broadcast_in_dim3A_113 = vector.shape_cast %reduce_sum3A_112 : vector<64xf32> to vector<64x1xf32>
    %add3A_114 = arith.addf %add3A_89, %broadcast_in_dim3A_113 : vector<64x1xf32>
    %get3A_115 = arith.constant 64 : index
    %get3A_116 = arith.constant 0 : index
    %get3A_117 = vector.load %arg6[%get3A_115, %get3A_116] : memref<256x16xf32, #tpu.memory_space<vmem>>, vector<64x16xf32>
    %reduce_sum3A_118 = arith.constant dense<0.000000e+00> : vector<64xf32>
    %reduce_sum3A_119 = vector.multi_reduction <add>, %get3A_117, %reduce_sum3A_118 [1] : vector<64x16xf32> to vector<64xf32>
    %broadcast_in_dim3A_120 = vector.shape_cast %reduce_sum3A_119 : vector<64xf32> to vector<64x1xf32>
    %add3A_121 = arith.addf %add3A_96, %broadcast_in_dim3A_120 : vector<64x1xf32>
    %get3A_122 = arith.constant 128 : index
    %get3A_123 = arith.constant 0 : index
    %get3A_124 = vector.load %arg4[%get3A_122, %get3A_123] : memref<256x16xf32, #tpu.memory_space<vmem>>, vector<64x16xf32>
    %sub3A_125 = vector.broadcast %max3A_44 : vector<64x1xf32> to vector<64x16xf32>
    %sub3A_126 = arith.subf %get3A_33, %sub3A_125 : vector<64x16xf32>
    %exp3A_127 = math.exp %sub3A_126 : vector<64x16xf32>
    %mul3A_128 = arith.mulf %get3A_124, %exp3A_127 : vector<64x16xf32>
    %reduce_sum3A_129 = arith.constant dense<0.000000e+00> : vector<64xf32>
    %reduce_sum3A_130 = vector.multi_reduction <add>, %mul3A_128, %reduce_sum3A_129 [1] : vector<64x16xf32> to vector<64xf32>
    %broadcast_in_dim3A_131 = vector.shape_cast %reduce_sum3A_130 : vector<64xf32> to vector<64x1xf32>
    %add3A_132 = arith.addf %add3A_107, %broadcast_in_dim3A_131 : vector<64x1xf32>
    %get3A_133 = arith.constant 128 : index
    %get3A_134 = arith.constant 0 : index
    %get3A_135 = vector.load %arg5[%get3A_133, %get3A_134] : memref<256x16xf32, #tpu.memory_space<vmem>>, vector<64x16xf32>
    %reduce_sum3A_136 = arith.constant dense<0.000000e+00> : vector<64xf32>
    %reduce_sum3A_137 = vector.multi_reduction <add>, %get3A_135, %reduce_sum3A_136 [1] : vector<64x16xf32> to vector<64xf32>
    %broadcast_in_dim3A_138 = vector.shape_cast %reduce_sum3A_137 : vector<64xf32> to vector<64x1xf32>
    %add3A_139 = arith.addf %add3A_114, %broadcast_in_dim3A_138 : vector<64x1xf32>
    %get3A_140 = arith.constant 128 : index
    %get3A_141 = arith.constant 0 : index
    %get3A_142 = vector.load %arg6[%get3A_140, %get3A_141] : memref<256x16xf32, #tpu.memory_space<vmem>>, vector<64x16xf32>
    %reduce_sum3A_143 = arith.constant dense<0.000000e+00> : vector<64xf32>
    %reduce_sum3A_144 = vector.multi_reduction <add>, %get3A_142, %reduce_sum3A_143 [1] : vector<64x16xf32> to vector<64xf32>
    %broadcast_in_dim3A_145 = vector.shape_cast %reduce_sum3A_144 : vector<64xf32> to vector<64x1xf32>
    %add3A_146 = arith.addf %add3A_121, %broadcast_in_dim3A_145 : vector<64x1xf32>
    %get3A_147 = arith.constant 192 : index
    %get3A_148 = arith.constant 0 : index
    %get3A_149 = vector.load %arg4[%get3A_147, %get3A_148] : memref<256x16xf32, #tpu.memory_space<vmem>>, vector<64x16xf32>
    %sub3A_150 = vector.broadcast %max3A_44 : vector<64x1xf32> to vector<64x16xf32>
    %sub3A_151 = arith.subf %get3A_40, %sub3A_150 : vector<64x16xf32>
    %exp3A_152 = math.exp %sub3A_151 : vector<64x16xf32>
    %mul3A_153 = arith.mulf %get3A_149, %exp3A_152 : vector<64x16xf32>
    %reduce_sum3A_154 = arith.constant dense<0.000000e+00> : vector<64xf32>
    %reduce_sum3A_155 = vector.multi_reduction <add>, %mul3A_153, %reduce_sum3A_154 [1] : vector<64x16xf32> to vector<64xf32>
    %broadcast_in_dim3A_156 = vector.shape_cast %reduce_sum3A_155 : vector<64xf32> to vector<64x1xf32>
    %add3A_157 = arith.addf %add3A_132, %broadcast_in_dim3A_156 : vector<64x1xf32>
    %get3A_158 = arith.constant 192 : index
    %get3A_159 = arith.constant 0 : index
    %get3A_160 = vector.load %arg5[%get3A_158, %get3A_159] : memref<256x16xf32, #tpu.memory_space<vmem>>, vector<64x16xf32>
    %reduce_sum3A_161 = arith.constant dense<0.000000e+00> : vector<64xf32>
    %reduce_sum3A_162 = vector.multi_reduction <add>, %get3A_160, %reduce_sum3A_161 [1] : vector<64x16xf32> to vector<64xf32>
    %broadcast_in_dim3A_163 = vector.shape_cast %reduce_sum3A_162 : vector<64xf32> to vector<64x1xf32>
    %add3A_164 = arith.addf %add3A_139, %broadcast_in_dim3A_163 : vector<64x1xf32>
    %get3A_165 = arith.constant 192 : index
    %get3A_166 = arith.constant 0 : index
    %get3A_167 = vector.load %arg6[%get3A_165, %get3A_166] : memref<256x16xf32, #tpu.memory_space<vmem>>, vector<64x16xf32>
    %reduce_sum3A_168 = arith.constant dense<0.000000e+00> : vector<64xf32>
    %reduce_sum3A_169 = vector.multi_reduction <add>, %get3A_167, %reduce_sum3A_168 [1] : vector<64x16xf32> to vector<64xf32>
    %broadcast_in_dim3A_170 = vector.shape_cast %reduce_sum3A_169 : vector<64xf32> to vector<64x1xf32>
    %add3A_171 = arith.addf %add3A_146, %broadcast_in_dim3A_170 : vector<64x1xf32>
    %log3A = math.log %add3A_157 : vector<64x1xf32>
    %add3A_172 = arith.addf %max3A_44, %log3A : vector<64x1xf32>
    %get3A_173 = arith.constant 0 : index
    %get3A_174 = memref.load %arg11[%get3A_173] : memref<2xf32, #tpu.memory_space<smem>>
    %get3A_175 = arith.constant 1 : index
    %get3A_176 = memref.load %arg11[%get3A_175] : memref<2xf32, #tpu.memory_space<smem>>
    %add3A_177 = vector.broadcast %get3A_176 : f32 to vector<64x1xf32>
    %add3A_178 = arith.addf %add3A_177, %add3A_164 : vector<64x1xf32>
    %mul3A_179 = arith.mulf %add3A_171, %add3A_172 : vector<64x1xf32>
    %sub3A_180 = arith.subf %add3A_178, %mul3A_179 : vector<64x1xf32>
    %sub3A_181 = arith.constant 1.000000e+05 : f32
    %sub3A_182 = vector.broadcast %sub3A_181 : f32 to vector<64x1xf32>
    %sub3A_183 = arith.subf %sub3A_182, %add3A_171 : vector<64x1xf32>
    %mul3A_184 = vector.broadcast %get3A_174 : f32 to vector<64x1xf32>
    %mul3A_185 = arith.mulf %mul3A_184, %sub3A_183 : vector<64x1xf32>
    %mul3A_186 = vector.broadcast %get3A_176 : f32 to vector<64x1xf32>
    %mul3A_187 = arith.mulf %mul3A_186, %add3A_171 : vector<64x1xf32>
    %add3A_188 = arith.addf %mul3A_185, %mul3A_187 : vector<64x1xf32>
    %sub3A_189 = arith.subf %sub3A_180, %add3A_188 : vector<64x1xf32>
    %swap3A = arith.constant 0 : index
    %swap3A_190 = arith.constant 0 : index
    %swap3A_191 = vector.load %arg12[%swap3A, %swap3A_190] : memref<64x1xf32, #tpu.memory_space<vmem>>, vector<64x1xf32>
    tpu.vector_store %arg12[%swap3A, %swap3A_190], %sub3A_189 {strides = array<i32>} : memref<64x1xf32, #tpu.memory_space<vmem>>, vector<64x1xf32>,
    return
  }
  func.func @transform_0(%arg0: i32) -> (i32, i32) {
    %c0_i32 = arith.constant 0 : i32
    %c390_i32 = arith.constant 390 : i32
    %c0_i32_0 = arith.constant 0 : i32
    return %c0_i32, %c390_i32 : i32, i32
  }
  func.func @transform_1(%arg0: i32) -> (i32, i32) {
    %c0_i32 = arith.constant 0 : i32
    %c390_i32 = arith.constant 390 : i32
    %c0_i32_0 = arith.constant 0 : i32
    return %c0_i32, %c390_i32 : i32, i32
  }
  func.func @transform_2(%arg0: i32) -> (i32, i32) {
    %c0_i32 = arith.constant 0 : i32
    %c0_i32_0 = arith.constant 0 : i32
    %c0_i32_1 = arith.constant 0 : i32
    return %c0_i32, %c0_i32_0 : i32, i32
  }
  func.func @transform_3(%arg0: i32) -> (i32, i32) {
    %c0_i32 = arith.constant 0 : i32
    %c0_i32_0 = arith.constant 0 : i32
    %c0_i32_1 = arith.constant 0 : i32
    return %c0_i32, %c0_i32_0 : i32, i32
  }
  func.func @transform_4(%arg0: i32) -> (i32, i32) {
    %c0_i32 = arith.constant 0 : i32
    %c0_i32_0 = arith.constant 0 : i32
    %c0_i32_1 = arith.constant 0 : i32
    return %c0_i32, %c0_i32_0 : i32, i32
  }
  func.func @transform_5(%arg0: i32) -> (i32, i32) {
    %c0_i32 = arith.constant 0 : i32
    %c0_i32_0 = arith.constant 0 : i32
    %c0_i32_1 = arith.constant 0 : i32
    return %c0_i32, %c0_i32_0 : i32, i32
  }
  func.func @transform_6(%arg0: i32) -> (i32, i32) {
    %c0_i32 = arith.constant 0 : i32
    %c0_i32_0 = arith.constant 0 : i32
    %c0_i32_1 = arith.constant 0 : i32
    return %c0_i32, %c0_i32_0 : i32, i32
  }
  func.func @transform_7(%arg0: i32) -> (i32, i32) {
    %c0_i32 = arith.constant 0 : i32
    %c0_i32_0 = arith.constant 0 : i32
    %c0_i32_1 = arith.constant 0 : i32
    return %c0_i32, %c0_i32_0 : i32, i32
  }
  func.func @transform_8(%arg0: i32) -> (i32, i32) {
    %c0_i32 = arith.constant 0 : i32
    %c0_i32_0 = arith.constant 0 : i32
    %c0_i32_1 = arith.constant 0 : i32
    return %c0_i32, %c0_i32_0 : i32, i32
  }
  func.func @transform_9(%arg0: i32) -> (i32, i32) {
    %c0_i32 = arith.constant 0 : i32
    %c0_i32_0 = arith.constant 0 : i32
    %c0_i32_1 = arith.constant 0 : i32
    return %c0_i32, %c0_i32_0 : i32, i32
  }
  func.func @transform_10(%arg0: i32) -> i32 {
    %c0_i32 = arith.constant 0 : i32
    %c0_i32_0 = arith.constant 0 : i32
    return %c0_i32 : i32
  }
  func.func @transform_11(%arg0: i32) -> (i32, i32) {
    %c0_i32 = arith.constant 0 : i32
    %c0_i32_0 = arith.constant 0 : i32
    %c0_i32_1 = arith.constant 0 : i32
    return %c0_i32, %c0_i32_0 : i32, i32
  }
}

</mosaic_0001>

<sc_bundles>
// kernel: kernel.5.cloned.1.call-start
scs
__scs_entry_jumppad:
0x0: {  	(pc) =	sbr.rel $0x88, $3  }
0x1: {  	(tag) =	ssettag $0x0;
	lr =	simm.s32 $0x1  }
0x2: {  	[smem:$0x3F9F] =	sst lr;
	_ =	strace $0xD0000000  }
0x3: {  	_ = 	snop  }
0x4: {  	_ = 	snop  }
0x5: {  	_ = 	snop  }
0x6: {  	_ = 	snop  }
0x7: {  	_ = 	snop  }
__scs_overlays_trampoline_lowered:
0x8: {  	[smem:$0x3FAE] =	sst s0  }
0x9: {  	[smem:$0x3FAF] =	sst s1  }
0xa: {  	[smem:$0x3FB0] =	sst s2  }
0xb: {  	[smem:$0x3FB1] =	sst s3  }
0xc: {  	[smem:$0x3FB2] =	sst s4  }
0xd: {  	[smem:$0x3FB3] =	sst s5  }
0xe: {  	[smem:$0x3FB4] =	sst s6  }
0xf: {  	[smem:$0x3FB5] =	sst s7  }
0x10: {  	[smem:$0x3FB6] =	sst s8  }
0x11: {  	[smem:$0x3FB7] =	sst s9;
	s0 =	simm.s32 @!p0 $0x0  }
0x12: {  	s1 =	sld [smem:$0x3F9D];
	s0 =	simm.s32 @p0 $0x1  }
0x13: {  	[smem:$0x3FB8] =	sst s0;
	s0 =	simm.s32 @!p1 $0x0  }
0x14: {  	s2 =	sld [smem:$0x3F9C];
	s0 =	simm.s32 @p1 $0x1  }
0x15: {  	[smem:$0x3FB9] =	sst s0;
	s0 =	simm.s32 @!p2 $0x0  }
0x16: {  	s3 =	sld [smem:$0x3FDB];
	s0 =	simm.s32 @p2 $0x1  }
0x17: {  	s4 =	simm.s32 $0x1BF5;
	[smem:$0x3FBB] =	sst s0  }
0x18: {  	s0 =	sld [smem:$0x3F9E];
	_ =	swait.ge [sflag:s4], $0x0  }
0x19: {  	s7 =	sld [smem:$0x3F9F]  }
0x1a: {  	s8 =	sadd.s32 $0xFFFFE003, lr  }
0x1b: {  	s9 =	sadd.s32 $0xFFFFFEF7, lr;
	s5 =	simm.s32 $0xFFFFFFFF;
	p2 =	slt.u32 s8, $0xFFFFF086  }
0x1c: {  	p1 =	slt.u32 s9, $0xF7A;
	s5 =	simm.s32 @!p2 $0x0  }
0x1d: {  	s5 =	simm.s32 @p1 $0x1;
	p0 =	seq.s32 s7, s2  }
0x1e: {  	s7 =	smul.u32 @!p0 $0xF7A, s2;
	p2 =	seq.s32 @!p0 s5, $0x0  }
0x1f: {  	s9 =	smul.u32 $0xF7A, s1;
	s8 =	simm.s32 @!p0 $0x1BF5;
	p2 =	por !p2, p0  }
0x20: {  	[sflag:s8] =	ssyncset.s32 @!p0 $0xFFFFF086;
	s6 =	sadd.s32 @!p0 s3, s7;
	s7 =	simm.s32 @!p0 $0x108  }
0x21: {  	s3 =	sadd.s32 s3, s9;
	s6 =	sadd.s32 @!p0 $0x88, s6;
	s7 =	simm.s32 @p2 $0x1082  }
0x22: {  	[simem:s7], [sflag:s8] =	dma.local @!p0 [hbm:s6], $0xF7A  }
0x23: {  	s9 =	sor.u32 $0xD0000000, s2;
	s6 =	simm.s32 $0x108;
	_ =	swait.ge @!p0 [sflag:s8], $0x0  }
0x24: {  	s3 =	sadd.s32 $0x88, s3;
	s6 =	simm.s32 @!p1 $0x1082;
	[sflag:s4] =	ssyncset.s32 $0xFFFFF086  }
0x25: {  	[simem:s6], [sflag:s4] =	dma.local [hbm:s3], $0xF7A  }
0x26: {  	[smem:$0x3F9F] =	sst s1;
	(tag) =	ssettag s2;
	_ =	strace s9  }
0x27: {  	s1 =	sld [smem:$0x3FAF]  }
0x28: {  	s2 =	sld [smem:$0x3FB0]  }
0x29: {  	s4 =	sld [smem:$0x3FB2]  }
0x2a: {  	p0 =	seq.s32 s5, $0x0;
	s5 =	sld [smem:$0x3FB3]  }
0x2b: {  	s6 =	sld [smem:$0x3FB4]  }
0x2c: {  	s7 =	sld [smem:$0x3FB5]  }
0x2d: {  	s3 =	simm.s32 $0x108;
	s8 =	sld [smem:$0x3FB6]  }
0x2e: {  	s3 =	simm.s32 @!p0 $0x1082;
	s9 =	sld [smem:$0x3FB7]  }
0x2f: {  	lr =	sadd.s32 s0, s3;
	s0 =	sld [smem:$0x3FAE]  }
0x30: {  	s3 =	sld [smem:$0x3FB1]  }
0x31: {  	[smem:$0x3FBA] =	sst s10  }
0x32: {  	s10 =	sld [smem:$0x3FB8];
	_ =	sdelay $0x3  }
0x33: {  	p0 =	seq.s32 s10, $0x1;
	s10 =	sld [smem:$0x3FBA];
	_ =	sdelay $0x3  }
0x34: {  	[smem:$0x3FBA] =	sst s10  }
0x35: {  	s10 =	sld [smem:$0x3FB9];
	_ =	sdelay $0x3  }
0x36: {  	p1 =	seq.s32 s10, $0x1;
	s10 =	sld [smem:$0x3FBA];
	_ =	sdelay $0x3  }
0x37: {  	[smem:$0x3FBA] =	sst s10  }
0x38: {  	s10 =	sld [smem:$0x3FBB]  }
0x39: {  	_ = 	snop;
	(pc) =	sbr.ind lr, $3  }
0x3a: {  	_ = 	snop  }
0x3b: {  	_ = 	snop  }
0x3c: {  	p2 =	seq.s32 s10, $0x1;
	s10 =	sld [smem:$0x3FBA]  }
0x3d: {  	_ =	shalt  }
0x3e: {  	_ =	shalt  }
0x3f: {  	_ =	shalt  }
0x40: {  	_ =	shalt  }
0x41: {  	_ =	shalt  }
0x42: {  	_ =	shalt  }
0x43: {  	_ =	shalt  }
0x44: {  	_ =	shalt  }
0x45: {  	_ =	shalt  }
0x46: {  	_ =	shalt  }
0x47: {  	_ =	shalt  }
0x48: {  	_ =	shalt  }
0x49: {  	_ =	shalt  }
0x4a: {  	_ =	shalt  }
0x4b: {  	_ =	shalt  }
0x4c: {  	_ =	shalt  }
0x4d: {  	_ =	shalt  }
0x4e: {  	_ =	shalt  }
0x4f: {  	_ =	shalt  }
0x50: {  	_ =	shalt  }
0x51: {  	_ =	shalt  }
0x52: {  	_ =	shalt  }
0x53: {  	_ =	shalt  }
0x54: {  	_ =	shalt  }
0x55: {  	_ =	shalt  }
0x56: {  	_ =	shalt  }
0x57: {  	_ =	shalt  }
0x58: {  	_ =	shalt  }
0x59: {  	_ =	shalt  }
0x5a: {  	_ =	shalt  }
0x5b: {  	_ =	shalt  }
0x5c: {  	_ =	shalt  }
0x5d: {  	_ =	shalt  }
0x5e: {  	_ =	shalt  }
0x5f: {  	_ =	shalt  }
0x60: {  	_ =	shalt  }
0x61: {  	_ =	shalt  }
0x62: {  	_ =	shalt  }
0x63: {  	_ =	shalt  }
0x64: {  	_ =	shalt  }
0x65: {  	_ =	shalt  }
0x66: {  	_ =	shalt  }
0x67: {  	_ =	shalt  }
0x68: {  	_ =	shalt  }
0x69: {  	_ =	shalt  }
0x6a: {  	_ =	shalt  }
0x6b: {  	_ =	shalt  }
0x6c: {  	_ =	shalt  }
0x6d: {  	_ =	shalt  }
0x6e: {  	_ =	shalt  }
0x6f: {  	_ =	shalt  }
0x70: {  	_ =	shalt  }
0x71: {  	_ =	shalt  }
0x72: {  	_ =	shalt  }
0x73: {  	_ =	shalt  }
0x74: {  	_ =	shalt  }
0x75: {  	_ =	shalt  }
0x76: {  	_ =	shalt  }
0x77: {  	_ =	shalt  }
0x78: {  	_ =	shalt  }
0x79: {  	_ =	shalt  }
0x7a: {  	_ =	shalt  }
0x7b: {  	_ =	shalt  }
0x7c: {  	_ =	shalt  }
0x7d: {  	_ =	shalt  }
0x7e: {  	_ =	shalt  }
0x7f: {  	_ =	shalt  }
0x80: {  	_ =	shalt  }
0x81: {  	_ =	shalt  }
0x82: {  	_ =	shalt  }
0x83: {  	_ =	shalt  }
0x84: {  	_ =	shalt  }
0x85: {  	_ =	shalt  }
0x86: {  	_ =	shalt  }
0x87: {  	_ =	shalt  }
.Lfunc_end0:
.L_simem_size_0:
called_computation_lowered:
.L_overlay_start_0:
0x88: {  	s2 =	sld [smem:$0x3FD9]  }
0x89: {  	s3 =	sld [smem:$0x3FFE];
	_ =	sdelay $0x1  }
0x8a: {  	s1 =	srdreg.scid  }
0x8b: {  	s0 =	sand.u32 $0x1, s1  }
0x8c: {  	s17 =	sshll.u32 s0, $0xA;
	s2 =	sadd.s32 s3, s2  }
0x8d: {  	s2 =	sadd.s32 s2, s17  }
0x8e: {  	[smem:$0x3FC6] =	sst s2  }
0x8f: {  	_ = 	snop  }
0x90: {  	s2 =	sld [smem:$0x3FC9]  }
0x91: {  	s18 =	sld [smem:$0x3FC8];
	(tm) =	ssettm $0x1  }
0x92: {  	s4 =	sld [smem:$0x3FFB];
	_ =	sdelay $0x3  }
0x93: {  	_ =	strace s4  }
0x94: {  	s4 =	sld [smem:$0x3FFC];
	_ =	sdelay $0x3  }
0x95: {  	_ =	strace s4  }
0x96: {  	s4 =	sld [smem:$0x3FFD];
	_ =	sdelay $0x3  }
0x97: {  	_ =	strace s4  }
0x98: {  	_ =	strace $0x8FFFFFFF  }
0x99: {  	s19 =	sld [smem:$0x3FDB];
	_ =	sdelay $0x1  }
0x9a: {  	s5 =	simm.s32 $_scs_section_size  }
0x9b: {  	s6 =	simm.s32 $_size__tile_overlayer_lowered;
	s7 =	simm.s32 $_tile_overlayer_lowered  }
0x9c: {  	s22 =	simm.s32 $0x1BFF;
	s21 =	sshll.u32 s7, $0x1;
	s4 =	sadd.s32 s5, s19  }
0x9d: {  	s8 =	simm.s32 $0x0;
	s20 =	sshll.u32 s6, $0x1;
	s6 =	sadd.s32 s21, s4  }
0x9e: {  	[timem:s8], [sflag:s22] =	dma.local [hbm:s6], s20  }
0x9f: {  	_ =	swait.ge [sflag:s22], s20  }
0xa0: {  	s5 =	ssub.s32 $0x0, s20;
	[sflag:s22] =	ssyncset.done $0x0  }
0xa1: {  	[sflag:s22] =	ssyncadd.s32 s5;
	_ =	sdelay $0x1  }
0xa2: {  	s23 =	simm.s32 $0x1B8B  }
0xa3: {  	_ =	swait.ge [sflag:s23], $0x1  }
0xa4: {  	[sflag:s23] =	ssyncset.done $0x0  }
0xa5: {  	s25 =	simm.s32 $0x1B8E;
	s24 =	sld [smem:$0x3FFE];
	[sflag:s23] =	ssyncadd.s32 $0xFFFFFFFF  }
0xa6: {  	s26 =	simm.s32 $execute0_lowered;
	[smem:$0x3FD2] =	sst s25  }
0xa7: {  	s6 =	sshll.u32 s26, $0x1;
	_ =	strace $0x80000046;
	[dreg:$0x1] =	wrdreg $0xFFFFFFFF  }
0xa8: {  	s28 =	simm.s32 $_size_execute0_lowered;
	s4 =	sadd.s32 s4, s6;
	[dreg:$0x0] =	wrdreg $0x0  }
0xa9: {  	s6 =	sshll.u32 s28, $0x1;
	[dreg:$0x2] =	wrdreg s4  }
0xaa: {  	[dreg:$0x3] =	wrdreg s6  }
0xab: {  	[dreg:$0x4] =	wrdreg $0xC0  }
0xac: {  	_ =	task [dreg:s8], $0x5FFFF  }
0xad: {  	[dreg:$0x1] =	wrdreg $0xFFFFFFFF  }
0xae: {  	[dreg:$0x0] =	wrdreg $0x60  }
0xaf: {  	[dreg:$0x2] =	wrdreg s2  }
0xb0: {  	[dreg:$0x3] =	wrdreg s18  }
0xb1: {  	[dreg:$0x4] =	wrdreg s24  }
0xb2: {  	[dreg:$0x5] =	wrdreg $0x9  }
0xb3: {  	_ =	task.clear_ibuf [dreg:s8], $0x6FFFF;
	_ =	strace $0x90000046  }
0xb4: {  	s29 =	simm.s32 $0x9;
	_ =	strace $0x80000048  }
0xb5: {  	_ =	swait.ge [sflag:s29], $0x1  }
0xb6: {  	[sflag:s29] =	ssyncadd.s32 $0xFFFFFFFF  }
0xb7: {  	_ =	strace $0x90000048  }
0xb8: {  	_ =	sfence  }
0xb9: {  	s30 =	sld [smem:$0x0];
	_ =	sdelay $0x2  }
0xba: {  	s31 =	sshll.u32 s1, $0xD;
	s1 =	sshrl.u32 s1, $0x2  }
0xbb: {  	s3 =	sand.u32 $0x4000, s31;
	s1 =	sadd.s32 s1, s30  }
0xbc: {  	s0 =	sor.u32 s3, s0;
	s1 =	sshll.u32 s1, $0x11  }
0xbd: {  	s0 =	sor.u32 s1, s0  }
0xbe: {  	s0 =	sadd.s32 $0x8F2B, s0  }
0xbf: {  	[sflag:s0] =	ssyncadd.remote.s32 $0x1  }
0xc0: {  	_ =	sfence.sel $0xFFFF  }
0xc1: {  	[dreg:$0x0] =	wrdreg $0xFFFFFFFF;
	(pc) =	sbr.abs _section_cstart, $3  }
0xc2: {  	[dreg:$0x1] =	wrdreg $0xFFFFFFFF  }
0xc3: {  	_ =	task.clear_ibuf [dreg:s8], $0x2FFFF;
	_ =	strace $0x9FFFFFFF  }
0xc4: {  	(tm) =	ssettm $0x7FFFFFFF  }
0xc5: {  	_ =	shalt  }
tec
execute0_lowered:
.L_overlay_start_1:
0x0: {  	(tag) =	ssettag $0x1  }
0x1: {  	s7 =	rddreg [dreg:$0x0]  }
0x2: {  	s0 =	srdreg.scid;
	s8 =	rddreg [dreg:$0x1]  }
0x3: {  	s4 =	stileid.u32;
	s3 =	rddreg [dreg:$0x2]  }
0x4: {  	s17 =	simm.s32 $0x7800;
	s18 =	simm.s32 $0x12C00;
	s19 =	simm.s32 $0x1  }
0x5: {  	s20 =	simm.s32 $0x4;
	s21 =	simm.s32 $0x2;
	s22 =	simm.s32 $0x5  }
0x6: {  	s23 =	simm.s32 $0x3;
	s24 =	simm.s32 $0x6;
	s25 =	simm.s32 $0x16800  }
0x7: {  	s26 =	simm.s32 $0x7;
	s0 =	sand.u32 $0x1, s0;
	s1 =	sshll.u32 s4, $0x1  }
0x8: {  	s28 =	simm.s32 $0x0;
	s4 =	sshrl.u32 s4, $0x2;
	s1 =	sor.u32 s0, s1  }
0x9: {  	s4 =	smul.u32 $0xB400, s4;
	s0 =	ssub.s32 $0x2, s0;
	s2 =	sand.u32 $0x7, s1  }
0xa: {  	s1 =	sshll.u32 s1, $0x7;
	s31 =	sshrl.u32 s0, $0x1;
	s5 =	smul.u32 $0xC3800, s2  }
0xb: {  	s2 =	simm.s32 $0x0;
	s1 =	sadd.s32 s1, s3;
	s0 =	ssub.s32 s0, s31  }
0xc: {  	[smem:$0x7FF] =	sst s2;
	s10 =	sadd.s32 $0x2200, s1;
	s4 =	sadd.s32 s4, s5  }
0xd: {  	s11 =	sadd.s32 $0x3200, s1;
	s12 =	sadd.s32 $0x4200, s1;
	s9 =	sshrl.u32 s4, $0x3  }
0xe: {  	s13 =	smax.u32 s0, $0x1;
	_ =	strace $0x80000047;
	s4 =	sadd.s32 $0x12C00, s9  }
0xf: {  	s6 =	sadd.s32 $0x13380, s9;
	s9 =	sadd.s32 $0x13B00, s9;
	s3 =	sadd.s32 s7, s4  }
0x10: {  	s4 =	sadd.s32 s8, s4;
	s5 =	sadd.s32 s7, s6;
	s6 =	sadd.s32 s8, s6  }
0x11: {  	s7 =	sadd.s32 s7, s9;
	s8 =	sadd.s32 s8, s9;
	s9 =	sadd.s32 $0x1200, s1  }
.LBB2_1:
0x12: {  	[tilespmem:s2], [sflag:$0x1] =	stream.linear.gather [hbm4b:s3+s2], $0x3C00, $0x38;
	[tilespmem:$0x16C00] =	vst v63  }
0x13: {  	s0 =	simm.s32 $0xB400  }
0x14: {  	[tilespmem:s0], [sflag:$0x4] =	stream.linear.gather [hbm4b:s4+s2], $0x3C00, $0x38;
	[tilespmem:$0x16C00] =	vst v63  }
0x15: {  	s14 =	simm.s32 $0x3C00  }
0x16: {  	[tilespmem:s14], [sflag:$0x2] =	stream.linear.gather [hbm4b:s5+s2], $0x3C00, $0x38;
	[tilespmem:$0x16C00] =	vst v63  }
0x17: {  	s15 =	simm.s32 $0xF000  }
0x18: {  	[tilespmem:s15], [sflag:$0x5] =	stream.linear.gather [hbm4b:s6+s2], $0x3C00, $0x38;
	[tilespmem:$0x16C00] =	vst v63  }
0x19: {  	_ = 	snop  }
0x1a: {  	[tilespmem:s17], [sflag:$0x3] =	stream.linear.gather [hbm4b:s7+s2], $0x3C00, $0x38;
	[tilespmem:$0x16C00] =	vst v63  }
0x1b: {  	_ = 	snop  }
0x1c: {  	[tilespmem:s18], [sflag:$0x6] =	stream.linear.gather [hbm4b:s8+s2], $0x3C00, $0x38;
	[tilespmem:$0x16C00] =	vst v63  }
0x1d: {  	_ =	swait.ge [sflag:s19], $0x3C00  }
0x1e: {  	[sflag:s19] =	ssyncset.done $0x0  }
0x1f: {  	s16 =	sand.u32 $0x7, s2;
	[sflag:s19] =	ssyncadd.s32 $0xFFFFC400  }
0x20: {  	s0 =	sshll.u32 s16, $0x4;
	_ =	swait.ge [sflag:s20], $0x3C00  }
0x21: {  	s1 =	sand.u32 $0x70, s2;
	s0 =	sadd.s32 $0x0, s0;
	[sflag:s20] =	ssyncset.done $0x0  }
0x22: {  	s14 =	sand.u32 $0x3C00, s2;
	s29 =	sor.u32 $0x380, s0;
	[sflag:s20] =	ssyncadd.s32 $0xFFFFC400  }
0x23: {  	s0 =	sor.u32 s1, s14;
	v8 =	vld [tilespmem:s29+$0x0]  }
0x24: {  	v10 =	vld [tilespmem:s0+$0x0]  }
0x25: {  	v7 =	vimm.f32 $-3.000000010e+38;
	v0 =	vimm.f32 $-3.000000010e+38;
	v11 =	vld [tilespmem:s0+$0x80]  }
0x26: {  	v3 =	vimm.f32 $-3.000000010e+38;
	v1 =	vimm.f32 $-3.000000010e+38;
	v2 =	vimm.f32 $-3.000000010e+38;
	s30 =	simm.s32 $0x20;
	s1 =	simm.s32 $0x1;
	v9 =	vld [tilespmem:s0+$0x100]  }
0x27: {  	v6 =	vimm.f32 $-3.000000010e+38;
	v4 =	vimm.f32 $-3.000000010e+38;
	v5 =	vimm.f32 $-3.000000010e+38;
	s14 =	simm.s32 $0x0;
	s31 =	sand.u32 $0x7, s1;
	s29 =	simm.s32 $0x10;
	v12 =	vld [tilespmem:s0+$0x180]  }
.LBB2_2:
0x28: {  	p0 =	sne.s32 s30, $0x770;
	s31 =	sshll.u32 s31, $0x4;
	v13 =	vld [tilespmem:s0+$0x200];
	v7 =	vmax.f32 v7, v8;
	s14 =	sadd.s32 $0x80, s14  }
0x29: {  	s29 =	sand.u32 $0x70, s29;
	s31 =	sadd.s32 s31, s14;
	s15 =	sand.u32 $0x3C00, s14;
	v0 =	vmax.f32 v0, v10;
	v14 =	vld [tilespmem:s0+$0x280]  }
0x2a: {  	s31 =	sor.u32 $0x380, s31;
	v3 =	vmax.f32 v3, v11;
	v15 =	vld [tilespmem:s0+$0x300];
	s0 =	sor.u32 s29, s15;
	s29 =	smov.u32 s30  }
.Ltmp0:
0x2b: {  	v8 =	vld [tilespmem:s31+$0x0];
	v1 =	vmax.f32 v1, v9;
	(pc) =	sbr.rel @p0 .LBB2_2-.Ltmp0, $4  }
0x2c: {  	v10 =	vld [tilespmem:s0+$0x0];
	v2 =	vmax.f32 v2, v12  }
0x2d: {  	v11 =	vld [tilespmem:s0+$0x80];
	v6 =	vmax.f32 v6, v13  }
0x2e: {  	s1 =	sadd.s32 $0x1, s1;
	v9 =	vld [tilespmem:s0+$0x100];
	v4 =	vmax.f32 v4, v14  }
0x2f: {  	s30 =	sadd.s32 $0x10, s30;
	s31 =	sand.u32 $0x7, s1;
	v12 =	vld [tilespmem:s0+$0x180];
	v5 =	vmax.f32 v5, v15  }
0x30: {  	v13 =	vld [tilespmem:s0+$0x200];
	s1 =	sadd.s32 $0x80, s14  }
0x31: {  	s16 =	sand.u32 $0x70, s29;
	v14 =	vld [tilespmem:s0+$0x280];
	s15 =	sand.u32 $0x3C00, s1  }
0x32: {  	v15 =	vld [tilespmem:s0+$0x300];
	s14 =	sor.u32 s16, s15  }
0x33: {  	v16 =	vld [tilespmem:s14+$0x0]  }
0x34: {  	v17 =	vld [tilespmem:s14+$0x80]  }
0x35: {  	v18 =	vld [tilespmem:s14+$0x100]  }
0x36: {  	v20 =	vld [tilespmem:s14+$0x200]  }
0x37: {  	v0 =	vmax.f32 v0, v10;
	v10 =	vmax.f32 v3, v11;
	v11 =	vld [tilespmem:s14+$0x280]  }
0x38: {  	v19 =	vld [tilespmem:s14+$0x180];
	v1 =	vmax.f32 v1, v9  }
0x39: {  	v2 =	vmax.f32 v2, v12;
	v12 =	vld [tilespmem:s14+$0x300];
	s14 =	sshll.u32 s31, $0x4;
	v9 =	vmax.f32 v6, v13;
	v3 =	vmax.f32 v0, v16  }
0x3a: {  	v13 =	vmax.f32 v4, v14;
	s0 =	sadd.s32 s14, s1;
	v4 =	vmax.f32 v10, v17;
	v10 =	vsub.f32 $-3.000000010e+38, v3  }
0x3b: {  	v14 =	vmax.f32 v5, v15;
	s0 =	sor.u32 $0x380, s0;
	v0 =	vmax.f32 v9, v20;
	v9 =	vsub.f32 $-3.000000010e+38, v4  }
0x3c: {  	v5 =	vmax.f32 v1, v18;
	v1 =	vmax.f32 v13, v11;
	v13 =	vld [tilespmem:s0+$0x0];
	s0 =	simm.s32 $0x0;
	v10 =	vmul.f32 $1.442695020e+00, v10  }
0x3d: {  	v6 =	vmax.f32 v2, v19;
	v11 =	vsub.f32 $-3.000000010e+38, v5;
	s15 =	sand.u32 $0x70, s0;
	s16 =	sand.u32 $0x3C00, s0;
	v9 =	vmul.f32 $1.442695020e+00, v9  }
0x3e: {  	v2 =	vmax.f32 v14, v12;
	v12 =	vsub.f32 $-3.000000010e+38, v6;
	s1 =	sor.u32 s15, s16;
	(erf) = vpow2.f32 v10  }
0x3f: {  	v15 =	vld [tilespmem:s1+$0x280];
	v10 =	vmul.f32 $1.442695020e+00, v11;
	v11 =	vsub.f32 $-3.000000010e+38, v0;
	(erf) = vpow2.f32 v9  }
0x40: {  	v21 =	vld [tilespmem:s1+$0x80];
	v9 =	vmul.f32 $1.442695020e+00, v12;
	v12 =	vsub.f32 $-3.000000010e+38, v1  }
0x41: {  	s0 =	sand.u32 $0x7, s0;
	v22 =	vld [tilespmem:s1+$0xB680];
	(erf) = vpow2.f32 v10;
	v10 =	vmul.f32 $1.442695020e+00, v11;
	v11 =	vsub.f32 $-3.000000010e+38, v2  }
0x42: {  	v7 =	vmax.f32 v7, v8;
	s0 =	sshll.u32 s0, $0x4;
	v25 =	vld [tilespmem:s1+$0x0];
	(erf) = vpow2.f32 v9;
	v9 =	vmul.f32 $1.442695020e+00, v12  }
0x43: {  	s15 =	simm.s32 $0x10;
	s16 =	simm.s32 $0x80;
	s0 =	sadd.s32 $0x0, s0;
	v31 =	vld [tilespmem:s1+$0x180];
	(erf) = vpow2.f32 v10;
	v8 =	vmul.f32 $1.442695020e+00, v11;
	v10 =	vmax.f32 v7, v13  }
0x44: {  	v35 =	vld [tilespmem:s1+$0x200];
	s14 =	sor.u32 $0x380, s0;
	s0 =	sand.u32 $0x70, s15;
	s15 =	sand.u32 $0x3C00, s16;
	(erf) = vpow2.f32 v9;
	v7 =	vsub.f32 $-3.000000010e+38, v10  }
0x45: {  	v40 =	vld [tilespmem:s1+$0xB600];
	s0 =	sor.u32 s0, s15;
	(erf) = vpow2.f32 v8  }
0x46: {  	v58 =	vld [tilespmem:s0+$0xB680];
	v7 =	vmul.f32 $1.442695020e+00, v7  }
0x47: {  	v47 =	vld [tilespmem:s0+$0x280];
	v8 =	vpop (erf)  }
0x48: {  	v19 =	vsub.f32 v15, v1;
	v13 =	vld [tilespmem:s1+$0xB480];
	v9 =	vpop (erf);
	(erf) = vpow2.f32 v7  }
0x49: {  	v16 =	vld [tilespmem:s1+$0xB700];
	v29 =	vsub.f32 v31, v6;
	v44 =	vmul.f32 v22, v15;
	v15 =	vsub.f32 v35, v0  }
0x4a: {  	v20 =	vld [tilespmem:s1+$0x300];
	v59 =	vmul.f32 v40, v35;
	v26 =	vmul.f32 $1.442695020e+00, v19;
	v11 =	vpop (erf)  }
0x4b: {  	v17 =	vld [tilespmem:s1+$0xB400];
	v45 =	vmul.f32 $1.442695020e+00, v29;
	v15 =	vmul.f32 $1.442695020e+00, v15;
	v12 =	vpop (erf)  }
0x4c: {  	v14 =	vld [tilespmem:s1+$0xB500];
	v37 =	vsub.f32 v25, v3;
	v35 =	vmul.f32 v58, v47;
	v7 =	vmul.f32 $0.0e+00, v8;
	v8 =	vpop (erf)  }
0x4d: {  	v39 =	vsub.f32 v21, v4;
	v19 =	vld [tilespmem:s14+$0x0];
	v27 =	vmul.f32 v13, v21;
	v18 =	vmul.f32 $0.0e+00, v9;
	v23 =	vpop (erf)  }
0x4e: {  	v38 =	vld [tilespmem:s1+$0xB580];
	v9 =	vmul.f32 $0.0e+00, v11;
	v11 =	vimm.f32 $0.0e+00;
	(erf) = vpow2.f32 v26;
	v24 =	vpop (erf)  }
0x4f: {  	v28 =	vmul.f32 $0.0e+00, v23;
	v23 =	vld [tilespmem:s1+$0x100];
	v33 =	vmul.f32 $0.0e+00, v24;
	v24 =	vsub.f32 v20, v2  }
0x50: {  	v12 =	vmul.f32 $0.0e+00, v12;
	v32 =	vadd.f32 v17, v11;
	v34 =	vadd.f32 v16, v11  }
0x51: {  	v36 =	vadd.f32 v22, v11;
	v16 =	vmul.f32 v16, v20;
	v24 =	vmul.f32 $1.442695020e+00, v24;
	v20 =	vpop (erf)  }
0x52: {  	v42 =	vadd.f32 v27, v11;
	v43 =	vmul.f32 $0.0e+00, v20;
	v20 =	vsub.f32 v19, v10  }
0x53: {  	v46 =	vld [tilespmem:s0+$0xB700];
	v29 =	vadd.f32 v38, v11;
	v22 =	vmul.f32 $1.442695020e+00, v37;
	(erf) = vpow2.f32 v24  }
0x54: {  	v49 =	vld [tilespmem:s0+$0x80];
	v37 =	vadd.f32 v44, v11;
	v24 =	vmul.f32 v14, v23;
	v20 =	vmul.f32 $1.442695020e+00, v20  }
0x55: {  	v41 =	vsub.f32 v23, v5;
	v23 =	vadd.f32 v13, v11;
	v13 =	vmul.f32 $1.442695020e+00, v39;
	v39 =	vld [tilespmem:s0+$0xB400]  }
0x56: {  	v21 =	vld [tilespmem:s14+$0xB400];
	v16 =	vadd.f32 v16, v11;
	v26 =	vadd.f32 v24, v11;
	(erf) = vpow2.f32 v20  }
0x57: {  	v61 =	vld [tilespmem:s0+$0x100];
	v24 =	vadd.f32 v14, v11;
	v14 =	vmul.f32 v17, v25;
	v17 =	vpop (erf);
	(erf) = vpow2.f32 v13  }
0x58: {  	v25 =	vadd.f32 v40, v11;
	v20 =	vadd.f32 v17, v28;
	v17 =	vld [tilespmem:s0+$0x300];
	(erf) = vpow2.f32 v22  }
0x59: {  	s16 =	simm.s32 $0x1;
	v27 =	vld [tilespmem:s0+$0xB480];
	v28 =	vmul.f32 $1.442695020e+00, v41;
	v13 =	vadd.f32 v46, v34;
	(erf) = vpow2.f32 v15  }
0x5a: {  	v8 =	vmul.f32 $0.0e+00, v8;
	s1 =	sand.u32 $0x7, s16;
	v41 =	vld [tilespmem:s0+$0x200];
	v22 =	vadd.f32 v14, v11;
	v14 =	vadd.f32 v39, v32  }
0x5b: {  	s1 =	sshll.u32 s1, $0x4;
	v40 =	vld [tilespmem:s0+$0x0];
	v15 =	vmul.f32 v38, v31;
	v31 =	vadd.f32 v21, v11;
	(erf) = vpow2.f32 v28  }
0x5c: {  	v30 =	vld [tilespmem:s0+$0xB500];
	s1 =	sadd.s32 $0x80, s1;
	v38 =	vadd.f32 v59, v11;
	v28 =	vsub.f32 v47, v1;
	v60 =	vpop (erf);
	(erf) = vpow2.f32 v45  }
0x5d: {  	s29 =	sor.u32 $0x380, s1;
	v32 =	vld [tilespmem:s0+$0x180];
	v47 =	vsub.f32 v61, v5;
	v34 =	vadd.f32 v15, v11;
	v46 =	vmul.f32 v46, v17  }
0x5e: {  	v51 =	vmul.f32 v27, v49;
	v44 =	vld [tilespmem:s29+$0x0];
	v15 =	vadd.f32 v58, v36;
	v62 =	vsub.f32 v17, v2  }
0x5f: {  	v52 =	vsub.f32 v41, v0;
	v33 =	vadd.f32 v60, v33;
	v63 =	vmul.f32 $1.442695020e+00, v28;
	v17 =	vpop (erf)  }
0x60: {  	v28 =	vsub.f32 v40, v3;
	v50 =	vmul.f32 $1.442695020e+00, v62;
	v16 =	vadd.f32 v46, v16;
	v48 =	vpop (erf)  }
0x61: {  	(erf) = vpow2.f32 v63;
	v36 =	vadd.f32 v17, v43;
	v17 =	vadd.f32 v51, v42;
	v42 =	vld [tilespmem:s0+$0xB580];
	v46 =	vpop (erf)  }
0x62: {  	s30 =	simm.s32 $0x100;
	s31 =	simm.s32 $0x2;
	s14 =	simm.s32 $0x20;
	v53 =	vsub.f32 v32, v6;
	v51 =	vsub.f32 v49, v4;
	v43 =	vld [tilespmem:s0+$0xB600];
	v49 =	vmul.f32 v30, v61;
	v45 =	vpop (erf)  }
.LBB2_4:
0x63: {  	s0 =	sand.u32 $0x7, s31;
	v54 =	vsub.f32 v44, v10  }
0x64: {  	s1 =	sand.u32 $0x70, s14;
	s15 =	sand.u32 $0x3C00, s30;
	v18 =	vadd.f32 v48, v18;
	v48 =	vmul.f32 v21, v19;
	v55 =	vpop (erf);
	v19 =	vmov v44;
	s16 =	smov.u32 s14  }
0x65: {  	v23 =	vadd.f32 v27, v23;
	v26 =	vadd.f32 v49, v26;
	s16 =	sshll.u32 s0, $0x4;
	s0 =	sor.u32 s1, s15;
	s1 =	sadd.s32 $0x10, s14;
	v21 =	vld [tilespmem:s29+$0xB400];
	(erf) = vpow2.f32 v50;
	v44 =	vpop (erf)  }
0x66: {  	p0 =	sne.s32 s14, $0x770;
	v49 =	vmul.f32 $1.442695020e+00, v53;
	v29 =	vadd.f32 v42, v29;
	s15 =	sadd.s32 s16, s30;
	v27 =	vld [tilespmem:s0+$0xB480];
	v50 =	vmul.f32 $1.442695020e+00, v54  }
0x67: {  	v51 =	vmul.f32 $1.442695020e+00, v51;
	v7 =	vadd.f32 v46, v7;
	v12 =	vadd.f32 v44, v12;
	v53 =	vld [tilespmem:s0+$0xB500];
	s29 =	sor.u32 $0x380, s15  }
0x68: {  	v46 =	vmul.f32 $1.442695020e+00, v52;
	v9 =	vadd.f32 v55, v9;
	v44 =	vld [tilespmem:s0+$0xB700];
	(erf) = vpow2.f32 v50  }
0x69: {  	v28 =	vmul.f32 $1.442695020e+00, v28;
	v24 =	vadd.f32 v30, v24;
	v11 =	vadd.f32 v48, v11;
	v50 =	vld [tilespmem:s0+$0xB400]  }
0x6a: {  	v40 =	vmul.f32 v39, v40;
	v8 =	vadd.f32 v45, v8;
	v48 =	vld [tilespmem:s0+$0xB680];
	(erf) = vpow2.f32 v51;
	v39 =	vpop (erf)  }
0x6b: {  	v25 =	vadd.f32 v43, v25;
	v45 =	vld [tilespmem:s0+$0x280];
	v20 =	vadd.f32 v39, v20;
	(erf) = vpow2.f32 v28  }
0x6c: {  	v22 =	vadd.f32 v40, v22;
	v51 =	vmul.f32 $1.442695020e+00, v47;
	v28 =	vld [tilespmem:s0+$0x300];
	(erf) = vpow2.f32 v46;
	v30 =	vmovc v53  }
0x6d: {  	v42 =	vmul.f32 v42, v32;
	v43 =	vmul.f32 v43, v41;
	v31 =	vadd.f32 v21, v31;
	v47 =	vld [tilespmem:s0+$0x80]  }
0x6e: {  	v13 =	vadd.f32 v44, v13;
	v40 =	vld [tilespmem:s0+$0x0];
	v14 =	vadd.f32 v50, v14;
	(erf) = vpow2.f32 v51;
	v39 =	vpop (erf)  }
0x6f: {  	v34 =	vadd.f32 v42, v34;
	v32 =	vld [tilespmem:s0+$0x180];
	v33 =	vadd.f32 v39, v33;
	(erf) = vpow2.f32 v49;
	v39 =	vmovc v50  }
0x70: {  	v15 =	vadd.f32 v48, v15;
	v49 =	vld [tilespmem:s0+$0x100];
	v42 =	vsub.f32 v45, v1;
	v45 =	vmul.f32 v48, v45  }
0x71: {  	v37 =	vadd.f32 v35, v37;
	v41 =	vld [tilespmem:s0+$0x200];
	v54 =	vsub.f32 v28, v2;
	v51 =	vmul.f32 v44, v28;
	v28 =	vpop (erf)  }
.Ltmp1:
0x72: {  	v52 =	vmul.f32 v27, v47;
	v53 =	vmul.f32 $1.442695020e+00, v42;
	v44 =	vld [tilespmem:s29+$0x0];
	v36 =	vadd.f32 v28, v36;
	v35 =	vmovc v45;
	(pc) =	sbr.rel @p0 .LBB2_4-.Ltmp1, $4  }
0x73: {  	v38 =	vadd.f32 v43, v38;
	v28 =	vsub.f32 v40, v3;
	v42 =	vld [tilespmem:s0+$0xB580];
	v50 =	vmul.f32 $1.442695020e+00, v54;
	v48 =	vpop (erf)  }
0x74: {  	v16 =	vadd.f32 v51, v16;
	v17 =	vadd.f32 v52, v17;
	v43 =	vld [tilespmem:s0+$0xB600];
	(erf) = vpow2.f32 v53;
	v46 =	vpop (erf)  }
0x75: {  	v51 =	vsub.f32 v47, v4;
	v47 =	vsub.f32 v49, v5;
	v49 =	vmul.f32 v30, v49;
	v45 =	vpop (erf)  }
0x76: {  	s31 =	sadd.s32 $0x1, s31;
	s30 =	sadd.s32 $0x80, s30;
	s14 =	smov.u32 s1;
	v53 =	vsub.f32 v32, v6;
	v52 =	vsub.f32 v41, v0  }
0x77: {  	v54 =	vsub.f32 v44, v10;
	_ =	sdelay $0x1  }
0x78: {  	v54 =	vmul.f32 $1.442695020e+00, v54  }
0x79: {  	(erf) = vpow2.f32 v50;
	v59 =	vmul.f32 $1.442695020e+00, v51  }
0x7a: {  	v28 =	vmul.f32 $1.442695020e+00, v28;
	(erf) = vpow2.f32 v54  }
0x7b: {  	v60 =	vmul.f32 $1.442695020e+00, v52;
	(erf) = vpow2.f32 v59  }
0x7c: {  	(erf) = vpow2.f32 v28;
	v28 =	vmul.f32 $1.442695020e+00, v47  }
0x7d: {  	v61 =	vmul.f32 $1.442695020e+00, v53;
	(erf) = vpow2.f32 v60  }
0x7e: {  	(erf) = vpow2.f32 v28  }
0x7f: {  	v62 =	vpop (erf);
	(erf) = vpow2.f32 v61  }
0x80: {  	v63 =	vpop (erf)  }
0x81: {  	v51 =	vpop (erf)  }
0x82: {  	v52 =	vpop (erf)  }
0x83: {  	v53 =	vpop (erf)  }
0x84: {  	v60 =	vpop (erf)  }
0x85: {  	v55 =	vpop (erf)  }
0x86: {  	v56 =	vpop (erf)  }
0x87: {  	v18 =	vadd.f32 v48, v18;
	v19 =	vmul.f32 v21, v19;
	v57 =	vpop (erf)  }
0x88: {  	v21 =	vadd.f32 v46, v7;
	v7 =	vmul.f32 v39, v40;
	v62 =	vadd.f32 v62, v9;
	v58 =	vpop (erf)  }
0x89: {  	v12 =	vadd.f32 v63, v12;
	v11 =	vadd.f32 v19, v11;
	v61 =	vld [tilespmem:s29+$0xB400];
	_ =	swait.ge [sflag:s21], $0x3C00  }
0x8a: {  	s1 =	simm.s32 $0x0;
	v63 =	vadd.f32 v45, v8;
	v8 =	vmul.f32 v42, v32;
	v32 =	vadd.f32 v7, v22;
	[sflag:s21] =	ssyncset.done $0x0  }
0x8b: {  	s0 =	sand.u32 $0x7, s1;
	v39 =	vadd.f32 v51, v20;
	v28 =	vadd.f32 v27, v23;
	[sflag:s21] =	ssyncadd.s32 $0xFFFFC400  }
0x8c: {  	s0 =	sshll.u32 s0, $0x4;
	v27 =	vadd.f32 v49, v26;
	v26 =	vadd.f32 v42, v29;
	_ =	swait.ge [sflag:s22], $0x3C00  }
0x8d: {  	s14 =	sand.u32 $0x70, s1;
	v7 =	vmul.f32 v43, v41;
	s0 =	sadd.s32 $0x0, s0;
	v29 =	vadd.f32 v30, v24;
	v30 =	vadd.f32 v43, v25;
	[sflag:s22] =	ssyncset.done $0x0  }
0x8e: {  	s15 =	sand.u32 $0x3C00, s1;
	s16 =	sor.u32 $0x380, s0;
	v25 =	vadd.f32 v8, v34;
	v24 =	vadd.f32 v35, v37;
	[sflag:s22] =	ssyncadd.s32 $0xFFFFC400  }
0x8f: {  	s0 =	sor.u32 s14, s15;
	v23 =	vadd.f32 v7, v38;
	v34 =	vadd.f32 v52, v33;
	v35 =	vld [tilespmem:s16+$0x3C00]  }
0x90: {  	v40 =	vmov v6;
	v31 =	vadd.f32 v61, v31;
	v33 =	vadd.f32 v53, v36;
	v7 =	vld [tilespmem:s0+$0x3C00]  }
0x91: {  	v41 =	vmovc v0;
	v22 =	vmul.f32 v61, v44;
	v19 =	vadd.f32 v60, v18;
	v21 =	vadd.f32 v55, v21;
	v9 =	vld [tilespmem:s0+$0x3C80]  }
0x92: {  	v42 =	vmovc v3;
	v43 =	vmovc v4;
	v38 =	vmov v5;
	s29 =	simm.s32 $0x1;
	v20 =	vadd.f32 v57, v62;
	v18 =	vadd.f32 v58, v12;
	v8 =	vld [tilespmem:s0+$0x3D00]  }
0x93: {  	s30 =	simm.s32 $0x20;
	s14 =	simm.s32 $0x10;
	v37 =	vmovc v2;
	s31 =	sand.u32 $0x7, s29;
	v36 =	vmovc v10;
	v12 =	vadd.f32 v22, v11;
	v22 =	vadd.f32 v56, v63;
	v11 =	vmov v1;
	v44 =	vld [tilespmem:s0+$0x3D80]  }
.LBB2_6:
0x94: {  	p0 =	sne.s32 s30, $0x770;
	s15 =	sshll.u32 s31, $0x4;
	v45 =	vld [tilespmem:s0+$0x3E00];
	v36 =	vmax.f32 v36, v35;
	s1 =	sadd.s32 $0x80, s1  }
0x95: {  	s14 =	sand.u32 $0x70, s14;
	s15 =	sadd.s32 s15, s1;
	s16 =	sand.u32 $0x3C00, s1;
	v42 =	vmax.f32 v42, v7;
	v46 =	vld [tilespmem:s0+$0x3E80]  }
0x96: {  	s15 =	sor.u32 $0x380, s15;
	v43 =	vmax.f32 v43, v9;
	v47 =	vld [tilespmem:s0+$0x3F00];
	s0 =	sor.u32 s14, s16;
	s14 =	smov.u32 s30  }
.Ltmp2:
0x97: {  	v35 =	vld [tilespmem:s15+$0x3C00];
	v38 =	vmax.f32 v38, v8;
	(pc) =	sbr.rel @p0 .LBB2_6-.Ltmp2, $4  }
0x98: {  	v7 =	vld [tilespmem:s0+$0x3C00];
	v40 =	vmax.f32 v40, v44  }
0x99: {  	v9 =	vld [tilespmem:s0+$0x3C80];
	v41 =	vmax.f32 v41, v45  }
0x9a: {  	s29 =	sadd.s32 $0x1, s29;
	v8 =	vld [tilespmem:s0+$0x3D00];
	v11 =	vmax.f32 v11, v46  }
0x9b: {  	s31 =	sand.u32 $0x7, s29;
	s30 =	sadd.s32 $0x10, s30;
	v44 =	vld [tilespmem:s0+$0x3D80];
	v37 =	vmax.f32 v37, v47  }
0x9c: {  	v45 =	vld [tilespmem:s0+$0x3E00];
	s1 =	sadd.s32 $0x80, s1  }
0x9d: {  	s14 =	sand.u32 $0x70, s14;
	v46 =	vld [tilespmem:s0+$0x3E80];
	s15 =	sand.u32 $0x3C00, s1  }
0x9e: {  	v47 =	vld [tilespmem:s0+$0x3F00];
	s14 =	sor.u32 s14, s15  }
0x9f: {  	v48 =	vld [tilespmem:s14+$0x3C00]  }
0xa0: {  	v49 =	vld [tilespmem:s14+$0x3C80]  }
0xa1: {  	v50 =	vld [tilespmem:s14+$0x3D00]  }
0xa2: {  	v51 =	vld [tilespmem:s14+$0x3D80]  }
0xa3: {  	v7 =	vmax.f32 v42, v7;
	v52 =	vld [tilespmem:s14+$0x3E00]  }
0xa4: {  	v9 =	vmax.f32 v43, v9;
	v58 =	vld [tilespmem:s14+$0x3E80];
	v8 =	vmax.f32 v38, v8;
	v59 =	vmax.f32 v40, v44  }
0xa5: {  	v60 =	vmax.f32 v41, v45;
	v62 =	vmax.f32 v11, v46;
	v11 =	vmax.f32 v7, v48  }
0xa6: {  	v61 =	vld [tilespmem:s14+$0x3F00];
	v37 =	vmax.f32 v37, v47;
	v9 =	vmax.f32 v9, v49;
	v63 =	vsub.f32 v3, v11  }
0xa7: {  	s14 =	sshll.u32 s31, $0x4;
	v8 =	vmax.f32 v8, v50;
	v7 =	vmax.f32 v59, v51;
	v46 =	vsub.f32 v4, v9  }
0xa8: {  	s0 =	sadd.s32 s14, s1;
	v3 =	vmax.f32 v60, v52;
	v48 =	vsub.f32 v5, v8;
	v47 =	vmul.f32 $1.442695020e+00, v63  }
0xa9: {  	s0 =	sor.u32 $0x380, s0;
	v4 =	vmax.f32 v62, v58;
	v6 =	vsub.f32 v6, v7;
	v49 =	vmul.f32 $1.442695020e+00, v46  }
0xaa: {  	v50 =	vld [tilespmem:s0+$0x3C00];
	s0 =	simm.s32 $0x0;
	v0 =	vsub.f32 v0, v3;
	v51 =	vmul.f32 $1.442695020e+00, v48;
	(erf) = vpow2.f32 v47  }
0xab: {  	v5 =	vmax.f32 v37, v61;
	s15 =	sand.u32 $0x70, s0;
	s16 =	sand.u32 $0x3C00, s0;
	v6 =	vmul.f32 $1.442695020e+00, v6;
	(erf) = vpow2.f32 v49  }
0xac: {  	v1 =	vsub.f32 v1, v4;
	s1 =	sor.u32 s15, s16;
	v0 =	vmul.f32 $1.442695020e+00, v0;
	(erf) = vpow2.f32 v51  }
0xad: {  	v2 =	vsub.f32 v2, v5;
	v56 =	vld [tilespmem:s1+$0x3F00];
	(erf) = vpow2.f32 v6  }
0xae: {  	v53 =	vld [tilespmem:s1+$0xF300];
	v1 =	vmul.f32 $1.442695020e+00, v1;
	v6 =	vmax.f32 v36, v35;
	(erf) = vpow2.f32 v0  }
0xaf: {  	v58 =	vld [tilespmem:s1+$0x3C80];
	v2 =	vmul.f32 $1.442695020e+00, v2;
	v0 =	vmax.f32 v6, v50  }
0xb0: {  	(erf) = vpow2.f32 v1;
	v1 =	vsub.f32 v10, v0;
	v10 =	vld [tilespmem:s1+$0x3E80]  }
0xb1: {  	(erf) = vpow2.f32 v2;
	v2 =	vld [tilespmem:s1+$0xF080]  }
0xb2: {  	v42 =	vld [tilespmem:s1+$0x3C00];
	v54 =	vsub.f32 v56, v5  }
0xb3: {  	v46 =	vld [tilespmem:s1+$0x3D80];
	v1 =	vmul.f32 $1.442695020e+00, v1;
	v52 =	vpop (erf)  }
0xb4: {  	s0 =	sand.u32 $0x7, s0;
	v63 =	vld [tilespmem:s1+$0x3D00];
	v35 =	vmul.f32 $1.442695020e+00, v54;
	v37 =	vpop (erf)  }
0xb5: {  	s0 =	sshll.u32 s0, $0x4;
	v6 =	vld [tilespmem:s1+$0xF100];
	(erf) = vpow2.f32 v1;
	v1 =	vmul.f32 v52, v21;
	v60 =	vsub.f32 v10, v4;
	v40 =	vpop (erf)  }
0xb6: {  	s0 =	sadd.s32 $0x0, s0;
	v13 =	vadd.f32 v53, v13;
	v21 =	vmul.f32 v37, v19;
	v37 =	vld [tilespmem:s1+$0xF280];
	v55 =	vmul.f32 v2, v58;
	v57 =	vpop (erf)  }
0xb7: {  	v38 =	vld [tilespmem:s1+$0xF000];
	s14 =	sor.u32 $0x380, s0;
	v28 =	vadd.f32 v2, v28;
	v19 =	vmul.f32 v40, v20;
	v44 =	vmul.f32 $1.442695020e+00, v60;
	v59 =	vpop (erf)  }
0xb8: {  	s15 =	simm.s32 $0x10;
	s16 =	simm.s32 $0x80;
	v60 =	vsub.f32 v46, v7;
	v20 =	vmul.f32 v57, v18;
	v18 =	vmul.f32 v59, v22;
	v22 =	vld [tilespmem:s14+$0x3C00]  }
0xb9: {  	v48 =	vld [tilespmem:s1+$0xF180];
	s0 =	sand.u32 $0x70, s15;
	s15 =	sand.u32 $0x3C00, s16;
	v57 =	vsub.f32 v42, v11;
	v49 =	vadd.f32 v55, v17;
	v61 =	vpop (erf);
	(erf) = vpow2.f32 v44  }
0xba: {  	v47 =	vld [tilespmem:s1+$0x3E00];
	s0 =	sor.u32 s0, s15;
	v17 =	vsub.f32 v58, v9;
	v59 =	vmul.f32 v6, v63;
	v39 =	vmul.f32 v61, v39  }
0xbb: {  	v41 =	vld [tilespmem:s0+$0x3C00];
	(erf) = vpow2.f32 v35;
	v44 =	vadd.f32 v37, v15;
	v15 =	vmul.f32 v53, v56  }
0xbc: {  	v51 =	vld [tilespmem:s1+$0xF200];
	v58 =	vsub.f32 v63, v8;
	v61 =	vmul.f32 $1.442695020e+00, v60;
	v2 =	vmul.f32 $1.442695020e+00, v17  }
0xbd: {  	v54 =	vld [tilespmem:s0+$0xF300];
	v62 =	vpop (erf);
	v17 =	vmul.f32 $1.442695020e+00, v57;
	v52 =	vadd.f32 v15, v16;
	v15 =	vsub.f32 v22, v0  }
0xbe: {  	v40 =	vld [tilespmem:s0+$0xF000];
	v45 =	vmul.f32 v62, v34;
	v53 =	vmul.f32 v37, v10;
	v34 =	vadd.f32 v48, v26  }
0xbf: {  	v26 =	vadd.f32 v6, v29;
	v6 =	vmul.f32 v38, v42;
	v16 =	vld [tilespmem:s14+$0xF000];
	v56 =	vpop (erf);
	v15 =	vmul.f32 $1.442695020e+00, v15  }
0xc0: {  	v63 =	vld [tilespmem:s0+$0x3F00];
	v10 =	vsub.f32 v47, v3;
	v29 =	vmul.f32 $1.442695020e+00, v58;
	v50 =	vmul.f32 v56, v33  }
0xc1: {  	v55 =	vld [tilespmem:s0+$0xF280];
	v33 =	vadd.f32 v59, v27;
	v59 =	vmul.f32 v51, v47;
	(erf) = vpow2.f32 v15  }
0xc2: {  	v14 =	vadd.f32 v38, v14;
	v62 =	vld [tilespmem:s0+$0x3E80];
	v10 =	vmul.f32 $1.442695020e+00, v10;
	(erf) = vpow2.f32 v2  }
0xc3: {  	v27 =	vadd.f32 v51, v30;
	v56 =	vld [tilespmem:s0+$0x3C80];
	v23 =	vadd.f32 v59, v23;
	(erf) = vpow2.f32 v17  }
0xc4: {  	s16 =	simm.s32 $0x1;
	v36 =	vld [tilespmem:s0+$0xF100];
	v30 =	vadd.f32 v16, v31;
	v2 =	vadd.f32 v54, v13;
	v15 =	vpop (erf);
	(erf) = vpow2.f32 v10  }
0xc5: {  	s1 =	sand.u32 $0x7, s16;
	v35 =	vld [tilespmem:s0+$0xF080];
	v60 =	vmul.f32 v54, v63;
	v17 =	vadd.f32 v6, v32;
	v6 =	vadd.f32 v40, v14  }
0xc6: {  	s1 =	sshll.u32 s1, $0x4;
	v42 =	vld [tilespmem:s0+$0x3E00];
	v14 =	vsub.f32 v63, v5;
	v10 =	vmul.f32 v48, v46;
	v13 =	vpop (erf);
	(erf) = vpow2.f32 v29  }
0xc7: {  	s1 =	sadd.s32 $0x80, s1;
	v29 =	vld [tilespmem:s0+$0x3D80];
	v31 =	vadd.f32 v13, v45;
	v13 =	vsub.f32 v62, v4;
	(erf) = vpow2.f32 v61  }
0xc8: {  	s29 =	sor.u32 $0x380, s1;
	v37 =	vmul.f32 v55, v62;
	v51 =	vsub.f32 v56, v9;
	v32 =	vadd.f32 v10, v25;
	v25 =	vld [tilespmem:s0+$0x3D00]  }
0xc9: {  	v15 =	vadd.f32 v15, v39;
	v39 =	vadd.f32 v53, v24;
	v45 =	vld [tilespmem:s29+$0x3C00];
	v63 =	vmul.f32 $1.442695020e+00, v13  }
0xca: {  	v24 =	vsub.f32 v41, v11;
	v62 =	vmul.f32 v35, v56;
	v10 =	vadd.f32 v55, v44;
	v61 =	vpop (erf)  }
0xcb: {  	v13 =	vadd.f32 v60, v52;
	v52 =	vsub.f32 v42, v3;
	(erf) = vpow2.f32 v63;
	v48 =	vpop (erf)  }
0xcc: {  	v43 =	vld [tilespmem:s0+$0xF180];
	v53 =	vsub.f32 v29, v7;
	v38 =	vadd.f32 v61, v50;
	v50 =	vmul.f32 $1.442695020e+00, v14;
	v46 =	vpop (erf)  }
0xcd: {  	s30 =	simm.s32 $0x100;
	s31 =	simm.s32 $0x2;
	s14 =	simm.s32 $0x20;
	v44 =	vld [tilespmem:s0+$0xF200];
	v14 =	vadd.f32 v62, v49;
	v47 =	vsub.f32 v25, v8;
	v49 =	vmul.f32 v36, v25;
	v25 =	vpop (erf)  }
.LBB2_8:
0xce: {  	s0 =	sand.u32 $0x7, s31;
	v54 =	vsub.f32 v45, v0  }
0xcf: {  	s1 =	sand.u32 $0x70, s14;
	s15 =	sand.u32 $0x3C00, s30;
	v21 =	vadd.f32 v48, v21;
	v48 =	vmul.f32 v16, v22;
	v55 =	vpop (erf);
	v22 =	vmov v45;
	s16 =	smov.u32 s14  }
0xd0: {  	v28 =	vadd.f32 v35, v28;
	v33 =	vadd.f32 v49, v33;
	s16 =	sshll.u32 s0, $0x4;
	s0 =	sor.u32 s1, s15;
	s1 =	sadd.s32 $0x10, s14;
	v16 =	vld [tilespmem:s29+$0xF000];
	(erf) = vpow2.f32 v50;
	v45 =	vpop (erf)  }
0xd1: {  	p0 =	sne.s32 s14, $0x770;
	v49 =	vmul.f32 $1.442695020e+00, v53;
	v34 =	vadd.f32 v43, v34;
	s15 =	sadd.s32 s16, s30;
	v35 =	vld [tilespmem:s0+$0xF080];
	v50 =	vmul.f32 $1.442695020e+00, v54  }
0xd2: {  	v51 =	vmul.f32 $1.442695020e+00, v51;
	v1 =	vadd.f32 v46, v1;
	v20 =	vadd.f32 v45, v20;
	v53 =	vld [tilespmem:s0+$0xF100];
	s29 =	sor.u32 $0x380, s15  }
0xd3: {  	v46 =	vmul.f32 $1.442695020e+00, v52;
	v19 =	vadd.f32 v55, v19;
	v45 =	vld [tilespmem:s0+$0xF300];
	(erf) = vpow2.f32 v50  }
0xd4: {  	v24 =	vmul.f32 $1.442695020e+00, v24;
	v26 =	vadd.f32 v36, v26;
	v12 =	vadd.f32 v48, v12;
	v50 =	vld [tilespmem:s0+$0xF000]  }
0xd5: {  	v41 =	vmul.f32 v40, v41;
	v18 =	vadd.f32 v25, v18;
	v48 =	vld [tilespmem:s0+$0xF280];
	(erf) = vpow2.f32 v51;
	v40 =	vpop (erf)  }
0xd6: {  	v27 =	vadd.f32 v44, v27;
	v25 =	vld [tilespmem:s0+$0x3E80];
	v15 =	vadd.f32 v40, v15;
	(erf) = vpow2.f32 v24  }
0xd7: {  	v17 =	vadd.f32 v41, v17;
	v51 =	vmul.f32 $1.442695020e+00, v47;
	v24 =	vld [tilespmem:s0+$0x3F00];
	(erf) = vpow2.f32 v46;
	v36 =	vmovc v53  }
0xd8: {  	v43 =	vmul.f32 v43, v29;
	v44 =	vmul.f32 v44, v42;
	v30 =	vadd.f32 v16, v30;
	v47 =	vld [tilespmem:s0+$0x3C80]  }
0xd9: {  	v2 =	vadd.f32 v45, v2;
	v41 =	vld [tilespmem:s0+$0x3C00];
	v6 =	vadd.f32 v50, v6;
	(erf) = vpow2.f32 v51;
	v40 =	vpop (erf)  }
0xda: {  	v32 =	vadd.f32 v43, v32;
	v29 =	vld [tilespmem:s0+$0x3D80];
	v31 =	vadd.f32 v40, v31;
	(erf) = vpow2.f32 v49;
	v40 =	vmovc v50  }
0xdb: {  	v10 =	vadd.f32 v48, v10;
	v49 =	vld [tilespmem:s0+$0x3D00];
	v43 =	vsub.f32 v25, v4;
	v25 =	vmul.f32 v48, v25  }
0xdc: {  	v39 =	vadd.f32 v37, v39;
	v42 =	vld [tilespmem:s0+$0x3E00];
	v54 =	vsub.f32 v24, v5;
	v51 =	vmul.f32 v45, v24;
	v24 =	vpop (erf)  }
.Ltmp3:
0xdd: {  	v52 =	vmul.f32 v35, v47;
	v53 =	vmul.f32 $1.442695020e+00, v43;
	v45 =	vld [tilespmem:s29+$0x3C00];
	v38 =	vadd.f32 v24, v38;
	v37 =	vmovc v25;
	(pc) =	sbr.rel @p0 .LBB2_8-.Ltmp3, $4  }
0xde: {  	v23 =	vadd.f32 v44, v23;
	v24 =	vsub.f32 v41, v11;
	v43 =	vld [tilespmem:s0+$0xF180];
	v50 =	vmul.f32 $1.442695020e+00, v54;
	v48 =	vpop (erf)  }
0xdf: {  	v13 =	vadd.f32 v51, v13;
	v14 =	vadd.f32 v52, v14;
	v44 =	vld [tilespmem:s0+$0xF200];
	(erf) = vpow2.f32 v53;
	v46 =	vpop (erf)  }
0xe0: {  	v51 =	vsub.f32 v47, v9;
	v47 =	vsub.f32 v49, v8;
	v49 =	vmul.f32 v36, v49;
	v25 =	vpop (erf)  }
0xe1: {  	s31 =	sadd.s32 $0x1, s31;
	s30 =	sadd.s32 $0x80, s30;
	s14 =	smov.u32 s1;
	v53 =	vsub.f32 v29, v7;
	v52 =	vsub.f32 v42, v3  }
0xe2: {  	v54 =	vsub.f32 v45, v0;
	_ =	sdelay $0x1  }
0xe3: {  	v54 =	vmul.f32 $1.442695020e+00, v54  }
0xe4: {  	(erf) = vpow2.f32 v50;
	v59 =	vmul.f32 $1.442695020e+00, v51  }
0xe5: {  	v24 =	vmul.f32 $1.442695020e+00, v24;
	(erf) = vpow2.f32 v54  }
0xe6: {  	v60 =	vmul.f32 $1.442695020e+00, v52;
	(erf) = vpow2.f32 v59  }
0xe7: {  	(erf) = vpow2.f32 v24;
	v24 =	vmul.f32 $1.442695020e+00, v47  }
0xe8: {  	v61 =	vmul.f32 $1.442695020e+00, v53;
	(erf) = vpow2.f32 v60  }
0xe9: {  	(erf) = vpow2.f32 v24  }
0xea: {  	v62 =	vpop (erf);
	(erf) = vpow2.f32 v61  }
0xeb: {  	v63 =	vpop (erf)  }
0xec: {  	v51 =	vpop (erf)  }
0xed: {  	v52 =	vpop (erf)  }
0xee: {  	v53 =	vpop (erf)  }
0xef: {  	v54 =	vpop (erf)  }
0xf0: {  	v58 =	vld [tilespmem:s29+$0xF000];
	v55 =	vpop (erf)  }
0xf1: {  	v56 =	vpop (erf)  }
0xf2: {  	v48 =	vadd.f32 v48, v21;
	v57 =	vpop (erf)  }
0xf3: {  	v21 =	vadd.f32 v35, v28;
	v1 =	vadd.f32 v46, v1;
	v59 =	vpop (erf)  }
0xf4: {  	v16 =	vmul.f32 v16, v22;
	v28 =	vadd.f32 v37, v39;
	v22 =	vadd.f32 v43, v34;
	_ =	swait.ge [sflag:s23], $0x3C00  }
0xf5: {  	s1 =	simm.s32 $0x0;
	v30 =	vadd.f32 v58, v30;
	v60 =	vadd.f32 v63, v20;
	[sflag:s23] =	ssyncset.done $0x0  }
0xf6: {  	s0 =	sand.u32 $0x7, s1;
	v20 =	vadd.f32 v36, v26;
	v63 =	vadd.f32 v25, v18;
	[sflag:s23] =	ssyncadd.s32 $0xFFFFC400  }
0xf7: {  	s0 =	sshll.u32 s0, $0x4;
	v61 =	vadd.f32 v62, v19;
	v62 =	vadd.f32 v16, v12;
	v12 =	vmul.f32 v40, v41;
	_ =	swait.ge [sflag:s24], $0x3C00  }
0xf8: {  	s14 =	sand.u32 $0x70, s1;
	s0 =	sadd.s32 $0x0, s0;
	v25 =	vadd.f32 v44, v27;
	v24 =	vadd.f32 v49, v33;
	v16 =	vmul.f32 v43, v29;
	[sflag:s24] =	ssyncset.done $0x0  }
0xf9: {  	s15 =	sand.u32 $0x3C00, s1;
	s16 =	sor.u32 $0x380, s0;
	v33 =	vadd.f32 v51, v15;
	v29 =	vadd.f32 v12, v17;
	v12 =	vmul.f32 v44, v42;
	[sflag:s24] =	ssyncadd.s32 $0xFFFFC400  }
0xfa: {  	s0 =	sor.u32 s14, s15;
	v26 =	vadd.f32 v16, v32;
	v32 =	vadd.f32 v52, v31;
	v17 =	vmul.f32 v58, v45;
	v36 =	vld [tilespmem:s16+$0x7800]  }
0xfb: {  	v27 =	vadd.f32 v12, v23;
	v31 =	vadd.f32 v53, v38;
	v12 =	vld [tilespmem:s0+$0x7800]  }
0xfc: {  	v37 =	vmovc v0;
	v39 =	vmov v8;
	v19 =	vadd.f32 v54, v48;
	v35 =	vadd.f32 v55, v1;
	v16 =	vld [tilespmem:s0+$0x7880]  }
0xfd: {  	s29 =	simm.s32 $0x1;
	v43 =	vmovc v9;
	v40 =	vmovc v7;
	v41 =	vmov v3;
	v1 =	vadd.f32 v17, v62;
	v23 =	vadd.f32 v56, v63;
	v15 =	vld [tilespmem:s0+$0x7900]  }
0xfe: {  	s30 =	simm.s32 $0x20;
	s31 =	sand.u32 $0x7, s29;
	s14 =	simm.s32 $0x10;
	v42 =	vmovc v11;
	v38 =	vmovc v5;
	v17 =	vmov v4;
	v34 =	vadd.f32 v57, v61;
	v18 =	vadd.f32 v59, v60;
	v44 =	vld [tilespmem:s0+$0x7980]  }
.LBB2_10:
0xff: {  	p0 =	sne.s32 s30, $0x770;
	s15 =	sshll.u32 s31, $0x4;
	v45 =	vld [tilespmem:s0+$0x7A00];
	v37 =	vmax.f32 v37, v36;
	s1 =	sadd.s32 $0x80, s1  }
0x100: {  	s14 =	sand.u32 $0x70, s14;
	s15 =	sadd.s32 s15, s1;
	s16 =	sand.u32 $0x3C00, s1;
	v42 =	vmax.f32 v42, v12;
	v46 =	vld [tilespmem:s0+$0x7A80]  }
0x101: {  	s15 =	sor.u32 $0x380, s15;
	v43 =	vmax.f32 v43, v16;
	v47 =	vld [tilespmem:s0+$0x7B00];
	s0 =	sor.u32 s14, s16;
	s14 =	smov.u32 s30  }
.Ltmp4:
0x102: {  	v36 =	vld [tilespmem:s15+$0x7800];
	v39 =	vmax.f32 v39, v15;
	(pc) =	sbr.rel @p0 .LBB2_10-.Ltmp4, $4  }
0x103: {  	v12 =	vld [tilespmem:s0+$0x7800];
	v40 =	vmax.f32 v40, v44  }
0x104: {  	v16 =	vld [tilespmem:s0+$0x7880];
	v41 =	vmax.f32 v41, v45  }
0x105: {  	s29 =	sadd.s32 $0x1, s29;
	v15 =	vld [tilespmem:s0+$0x7900];
	v17 =	vmax.f32 v17, v46  }
0x106: {  	s31 =	sand.u32 $0x7, s29;
	s30 =	sadd.s32 $0x10, s30;
	v44 =	vld [tilespmem:s0+$0x7980];
	v38 =	vmax.f32 v38, v47  }
0x107: {  	v45 =	vld [tilespmem:s0+$0x7A00];
	s1 =	sadd.s32 $0x80, s1  }
0x108: {  	s14 =	sand.u32 $0x70, s14;
	v46 =	vld [tilespmem:s0+$0x7A80];
	s15 =	sand.u32 $0x3C00, s1  }
0x109: {  	v47 =	vld [tilespmem:s0+$0x7B00];
	s14 =	sor.u32 s14, s15  }
0x10a: {  	v48 =	vld [tilespmem:s14+$0x7800]  }
0x10b: {  	v49 =	vld [tilespmem:s14+$0x7880]  }
0x10c: {  	v50 =	vld [tilespmem:s14+$0x7900]  }
0x10d: {  	v51 =	vld [tilespmem:s14+$0x7980]  }
0x10e: {  	v52 =	vld [tilespmem:s14+$0x7A00]  }
0x10f: {  	v12 =	vmax.f32 v42, v12;
	v16 =	vmax.f32 v43, v16;
	v61 =	vld [tilespmem:s14+$0x7A80]  }
0x110: {  	v39 =	vmax.f32 v39, v15;
	v62 =	vld [tilespmem:s14+$0x7B00];
	s14 =	sshll.u32 s31, $0x4;
	v40 =	vmax.f32 v40, v44;
	v41 =	vmax.f32 v41, v45  }
0x111: {  	s0 =	sadd.s32 s14, s1;
	v63 =	vmax.f32 v17, v46;
	v38 =	vmax.f32 v38, v47;
	v17 =	vmax.f32 v12, v48  }
0x112: {  	s0 =	sor.u32 $0x380, s0;
	v15 =	vmax.f32 v16, v49;
	v12 =	vmax.f32 v39, v50;
	v47 =	vsub.f32 v11, v17  }
0x113: {  	v16 =	vmax.f32 v40, v51;
	v51 =	vld [tilespmem:s0+$0x7800];
	s0 =	simm.s32 $0x0;
	v11 =	vmax.f32 v41, v52;
	v48 =	vsub.f32 v9, v15  }
0x114: {  	v9 =	vmax.f32 v63, v61;
	v49 =	vsub.f32 v8, v12;
	s15 =	sand.u32 $0x70, s0;
	s16 =	sand.u32 $0x3C00, s0;
	v39 =	vmul.f32 $1.442695020e+00, v47  }
0x115: {  	v8 =	vmax.f32 v38, v62;
	v7 =	vsub.f32 v7, v16;
	s1 =	sor.u32 s15, s16;
	v50 =	vmul.f32 $1.442695020e+00, v48  }
0x116: {  	v3 =	vsub.f32 v3, v11;
	v52 =	vmul.f32 $1.442695020e+00, v49;
	v38 =	vld [tilespmem:s1+$0x7A80];
	(erf) = vpow2.f32 v39  }
0x117: {  	v4 =	vsub.f32 v4, v9;
	v7 =	vmul.f32 $1.442695020e+00, v7;
	v53 =	vld [tilespmem:s1+$0x12F00];
	(erf) = vpow2.f32 v50  }
0x118: {  	v5 =	vsub.f32 v5, v8;
	v40 =	vld [tilespmem:s1+$0x12C00];
	v3 =	vmul.f32 $1.442695020e+00, v3;
	(erf) = vpow2.f32 v52  }
0x119: {  	v43 =	vld [tilespmem:s1+$0x7880];
	v4 =	vmul.f32 $1.442695020e+00, v4;
	(erf) = vpow2.f32 v7;
	v7 =	vmax.f32 v37, v36  }
0x11a: {  	v57 =	vld [tilespmem:s1+$0x12E80];
	v5 =	vmul.f32 $1.442695020e+00, v5;
	(erf) = vpow2.f32 v3;
	v3 =	vmax.f32 v7, v51  }
0x11b: {  	v36 =	vld [tilespmem:s1+$0x12C80];
	(erf) = vpow2.f32 v4;
	v0 =	vsub.f32 v0, v3  }
0x11c: {  	v54 =	vld [tilespmem:s1+$0x7B00];
	(erf) = vpow2.f32 v5  }
0x11d: {  	v46 =	vld [tilespmem:s1+$0x7980];
	v0 =	vmul.f32 $1.442695020e+00, v0  }
0x11e: {  	v42 =	vld [tilespmem:s1+$0x7800]  }
0x11f: {  	v58 =	vsub.f32 v38, v9;
	v45 =	vadd.f32 v40, v6;
	v4 =	vpop (erf)  }
0x120: {  	s0 =	sand.u32 $0x7, s0;
	v41 =	vld [tilespmem:s1+$0x12D80];
	v47 =	vadd.f32 v57, v10;
	v44 =	vmul.f32 v57, v38;
	v61 =	vmul.f32 v36, v43;
	v5 =	vpop (erf)  }
0x121: {  	s0 =	sshll.u32 s0, $0x4;
	v37 =	vld [tilespmem:s1+$0x12D00];
	(erf) = vpow2.f32 v0;
	v7 =	vmul.f32 v4, v35;
	v35 =	vadd.f32 v53, v2;
	v0 =	vpop (erf)  }
0x122: {  	s0 =	sadd.s32 $0x0, s0;
	v6 =	vld [tilespmem:s1+$0x7900];
	v2 =	vmul.f32 v53, v54;
	v51 =	vadd.f32 v61, v14;
	v14 =	vsub.f32 v46, v16;
	v55 =	vpop (erf)  }
0x123: {  	s14 =	sor.u32 $0x380, s0;
	v62 =	vsub.f32 v42, v17;
	v60 =	vmul.f32 $1.442695020e+00, v58;
	v4 =	vmul.f32 v5, v19;
	v56 =	vpop (erf)  }
0x124: {  	s15 =	simm.s32 $0x10;
	s16 =	simm.s32 $0x80;
	v19 =	vmul.f32 v0, v34;
	v0 =	vld [tilespmem:s14+$0x7800];
	v53 =	vadd.f32 v2, v13;
	v58 =	vmul.f32 $1.442695020e+00, v14;
	v59 =	vpop (erf)  }
0x125: {  	v48 =	vld [tilespmem:s1+$0x7A00];
	s0 =	sand.u32 $0x70, s15;
	s15 =	sand.u32 $0x3C00, s16;
	v13 =	vsub.f32 v43, v15;
	v5 =	vmul.f32 v55, v18;
	v18 =	vmul.f32 v56, v23;
	v23 =	vpop (erf)  }
0x126: {  	s0 =	sor.u32 s0, s15;
	v55 =	vmul.f32 v41, v46;
	v32 =	vmul.f32 v23, v32;
	v23 =	vsub.f32 v54, v8  }
0x127: {  	v49 =	vld [tilespmem:s0+$0x12F00];
	(erf) = vpow2.f32 v60;
	v56 =	vsub.f32 v6, v12;
	v6 =	vmul.f32 v37, v6  }
0x128: {  	v52 =	vld [tilespmem:s1+$0x12E00];
	v14 =	vmul.f32 $1.442695020e+00, v13;
	v13 =	vadd.f32 v37, v20;
	v63 =	vmul.f32 $1.442695020e+00, v23  }
0x129: {  	v38 =	vld [tilespmem:s0+$0x7800];
	v20 =	vmul.f32 v40, v42;
	v33 =	vmul.f32 v59, v33;
	v2 =	vsub.f32 v0, v3  }
0x12a: {  	v57 =	vsub.f32 v48, v11;
	v59 =	vmul.f32 $1.442695020e+00, v62;
	v62 =	vld [tilespmem:s0+$0x7B00];
	v10 =	vpop (erf);
	(erf) = vpow2.f32 v63  }
0x12b: {  	v61 =	vld [tilespmem:s0+$0x7A80];
	v50 =	vmul.f32 v10, v31;
	v31 =	vmul.f32 $1.442695020e+00, v2  }
0x12c: {  	v34 =	vld [tilespmem:s0+$0x12C00];
	v24 =	vadd.f32 v6, v24;
	v6 =	vadd.f32 v41, v22;
	v22 =	vmul.f32 $1.442695020e+00, v57  }
0x12d: {  	v28 =	vadd.f32 v44, v28;
	v23 =	vld [tilespmem:s14+$0x12C00];
	v63 =	vmul.f32 $1.442695020e+00, v56;
	(erf) = vpow2.f32 v31  }
0x12e: {  	v46 =	vsub.f32 v38, v17;
	v60 =	vld [tilespmem:s0+$0x12E80];
	v56 =	vmul.f32 v52, v48;
	(erf) = vpow2.f32 v14  }
0x12f: {  	v40 =	vld [tilespmem:s0+$0x7A00];
	v29 =	vadd.f32 v20, v29;
	v42 =	vmul.f32 v49, v62;
	(erf) = vpow2.f32 v59  }
0x130: {  	s16 =	simm.s32 $0x1;
	v54 =	vld [tilespmem:s0+$0x7880];
	v2 =	vadd.f32 v36, v21;
	v36 =	vadd.f32 v56, v27;
	v31 =	vpop (erf);
	(erf) = vpow2.f32 v22  }
0x131: {  	s1 =	sand.u32 $0x7, s16;
	v10 =	vld [tilespmem:s0+$0x12C80];
	v27 =	vadd.f32 v42, v53;
	v14 =	vadd.f32 v52, v25  }
0x132: {  	s1 =	sshll.u32 s1, $0x4;
	v20 =	vadd.f32 v23, v30;
	v31 =	vadd.f32 v31, v33;
	v33 =	vld [tilespmem:s0+$0x7980];
	(erf) = vpow2.f32 v63  }
0x133: {  	s1 =	sadd.s32 $0x80, s1;
	v21 =	vld [tilespmem:s0+$0x12D00];
	v25 =	vadd.f32 v34, v45;
	v59 =	vsub.f32 v61, v9;
	v57 =	vpop (erf);
	(erf) = vpow2.f32 v58  }
0x134: {  	s29 =	sor.u32 $0x380, s1;
	v30 =	vadd.f32 v55, v26;
	v26 =	vadd.f32 v60, v47;
	v58 =	vld [tilespmem:s0+$0x7900]  }
0x135: {  	v43 =	vld [tilespmem:s29+$0x7800];
	v22 =	vadd.f32 v49, v35;
	v63 =	vmul.f32 $1.442695020e+00, v59;
	v35 =	vadd.f32 v57, v32  }
0x136: {  	v32 =	vmul.f32 v60, v61;
	v60 =	vsub.f32 v62, v8;
	v62 =	vmul.f32 v10, v54;
	v61 =	vpop (erf)  }
0x137: {  	v52 =	vsub.f32 v40, v11;
	v53 =	vsub.f32 v33, v16;
	(erf) = vpow2.f32 v63;
	v49 =	vpop (erf)  }
0x138: {  	v41 =	vld [tilespmem:s0+$0x12D80];
	v39 =	vadd.f32 v61, v50;
	v50 =	vmul.f32 $1.442695020e+00, v60;
	v37 =	vadd.f32 v62, v51;
	v47 =	vpop (erf)  }
0x139: {  	s30 =	simm.s32 $0x100;
	s31 =	simm.s32 $0x2;
	s14 =	simm.s32 $0x20;
	v42 =	vld [tilespmem:s0+$0x12E00];
	v51 =	vsub.f32 v54, v15;
	v48 =	vsub.f32 v58, v12;
	v45 =	vmul.f32 v21, v58;
	v44 =	vpop (erf)  }
.LBB2_12:
0x13a: {  	s0 =	sand.u32 $0x7, s31;
	v54 =	vsub.f32 v43, v3  }
0x13b: {  	s1 =	sand.u32 $0x70, s14;
	s15 =	sand.u32 $0x3C00, s30;
	v4 =	vadd.f32 v49, v4;
	v49 =	vmul.f32 v23, v0;
	v55 =	vpop (erf);
	v0 =	vmov v43;
	s16 =	smov.u32 s14  }
0x13c: {  	v2 =	vadd.f32 v10, v2;
	v24 =	vadd.f32 v45, v24;
	s16 =	sshll.u32 s0, $0x4;
	s0 =	sor.u32 s1, s15;
	s1 =	sadd.s32 $0x10, s14;
	v23 =	vld [tilespmem:s29+$0x12C00];
	(erf) = vpow2.f32 v50;
	v43 =	vpop (erf)  }
0x13d: {  	p0 =	sne.s32 s14, $0x770;
	v45 =	vmul.f32 $1.442695020e+00, v53;
	v6 =	vadd.f32 v41, v6;
	s15 =	sadd.s32 s16, s30;
	v10 =	vld [tilespmem:s0+$0x12C80];
	v50 =	vmul.f32 $1.442695020e+00, v54  }
0x13e: {  	v51 =	vmul.f32 $1.442695020e+00, v51;
	v7 =	vadd.f32 v47, v7;
	v5 =	vadd.f32 v43, v5;
	v53 =	vld [tilespmem:s0+$0x12D00];
	s29 =	sor.u32 $0x380, s15  }
0x13f: {  	v47 =	vmul.f32 $1.442695020e+00, v52;
	v19 =	vadd.f32 v55, v19;
	v43 =	vld [tilespmem:s0+$0x12F00];
	(erf) = vpow2.f32 v50  }
0x140: {  	v46 =	vmul.f32 $1.442695020e+00, v46;
	v13 =	vadd.f32 v21, v13;
	v1 =	vadd.f32 v49, v1;
	v50 =	vld [tilespmem:s0+$0x12C00]  }
0x141: {  	v38 =	vmul.f32 v34, v38;
	v18 =	vadd.f32 v44, v18;
	v49 =	vld [tilespmem:s0+$0x12E80];
	(erf) = vpow2.f32 v51;
	v34 =	vpop (erf)  }
0x142: {  	v14 =	vadd.f32 v42, v14;
	v44 =	vld [tilespmem:s0+$0x7A80];
	v31 =	vadd.f32 v34, v31;
	(erf) = vpow2.f32 v46  }
0x143: {  	v29 =	vadd.f32 v38, v29;
	v51 =	vmul.f32 $1.442695020e+00, v48;
	v46 =	vld [tilespmem:s0+$0x7B00];
	(erf) = vpow2.f32 v47;
	v21 =	vmovc v53  }
0x144: {  	v41 =	vmul.f32 v41, v33;
	v42 =	vmul.f32 v42, v40;
	v20 =	vadd.f32 v23, v20;
	v48 =	vld [tilespmem:s0+$0x7880]  }
0x145: {  	v22 =	vadd.f32 v43, v22;
	v38 =	vld [tilespmem:s0+$0x7800];
	v25 =	vadd.f32 v50, v25;
	(erf) = vpow2.f32 v51;
	v34 =	vpop (erf)  }
0x146: {  	v30 =	vadd.f32 v41, v30;
	v33 =	vld [tilespmem:s0+$0x7980];
	v35 =	vadd.f32 v34, v35;
	(erf) = vpow2.f32 v45;
	v34 =	vmovc v50  }
0x147: {  	v26 =	vadd.f32 v49, v26;
	v45 =	vld [tilespmem:s0+$0x7900];
	v41 =	vsub.f32 v44, v9;
	v44 =	vmul.f32 v49, v44  }
0x148: {  	v28 =	vadd.f32 v32, v28;
	v40 =	vld [tilespmem:s0+$0x7A00];
	v54 =	vsub.f32 v46, v8;
	v51 =	vmul.f32 v43, v46;
	v32 =	vpop (erf)  }
.Ltmp5:
0x149: {  	v52 =	vmul.f32 v10, v48;
	v53 =	vmul.f32 $1.442695020e+00, v41;
	v43 =	vld [tilespmem:s29+$0x7800];
	v39 =	vadd.f32 v32, v39;
	v32 =	vmovc v44;
	(pc) =	sbr.rel @p0 .LBB2_12-.Ltmp5, $4  }
0x14a: {  	v36 =	vadd.f32 v42, v36;
	v46 =	vsub.f32 v38, v17;
	v41 =	vld [tilespmem:s0+$0x12D80];
	v50 =	vmul.f32 $1.442695020e+00, v54;
	v49 =	vpop (erf)  }
0x14b: {  	v27 =	vadd.f32 v51, v27;
	v37 =	vadd.f32 v52, v37;
	v42 =	vld [tilespmem:s0+$0x12E00];
	(erf) = vpow2.f32 v53;
	v47 =	vpop (erf)  }
0x14c: {  	v51 =	vsub.f32 v48, v15;
	v48 =	vsub.f32 v45, v12;
	v45 =	vmul.f32 v21, v45;
	v44 =	vpop (erf)  }
0x14d: {  	s31 =	sadd.s32 $0x1, s31;
	s30 =	sadd.s32 $0x80, s30;
	s14 =	smov.u32 s1;
	v53 =	vsub.f32 v33, v16;
	v52 =	vsub.f32 v40, v11  }
0x14e: {  	v54 =	vsub.f32 v43, v3;
	_ =	sdelay $0x1  }
0x14f: {  	v54 =	vmul.f32 $1.442695020e+00, v54  }
0x150: {  	(erf) = vpow2.f32 v50;
	v61 =	vmul.f32 $1.442695020e+00, v51  }
0x151: {  	v46 =	vmul.f32 $1.442695020e+00, v46;
	(erf) = vpow2.f32 v54  }
0x152: {  	v62 =	vmul.f32 $1.442695020e+00, v52;
	(erf) = vpow2.f32 v61  }
0x153: {  	v63 =	vmul.f32 $1.442695020e+00, v48;
	(erf) = vpow2.f32 v46  }
0x154: {  	v52 =	vmul.f32 $1.442695020e+00, v53;
	(erf) = vpow2.f32 v62  }
0x155: {  	(erf) = vpow2.f32 v63  }
0x156: {  	v53 =	vpop (erf);
	(erf) = vpow2.f32 v52  }
0x157: {  	v50 =	vld [tilespmem:s29+$0x12C00];
	[tilespmem:$0x16800] =	vst v17;
	v54 =	vpop (erf)  }
0x158: {  	[tilespmem:$0x16880] =	vst v15;
	v55 =	vpop (erf)  }
0x159: {  	[tilespmem:$0x16900] =	vst v12;
	v56 =	vpop (erf)  }
0x15a: {  	[tilespmem:$0x16980] =	vst v16;
	v57 =	vpop (erf)  }
0x15b: {  	[tilespmem:$0x16A00] =	vst v11;
	v58 =	vpop (erf)  }
0x15c: {  	[tilespmem:$0x16A80] =	vst v9;
	v59 =	vpop (erf)  }
0x15d: {  	[tilespmem:$0x16B00] =	vst v8;
	v60 =	vpop (erf)  }
0x15e: {  	[tilespmem:$0x16B80] =	vst v3;
	v61 =	vpop (erf)  }
0x15f: {  	[hbm4b:s9+s2] =	stream.linear.scatter [tilespmem:s25], [sflag:$0x7], $0x400, $0x38;
	v62 =	vadd.f32 v47, v7;
	v63 =	vpop (erf);
	[tilespmem:$0x16C00] =	vst v63  }
0x160: {  	v4 =	vadd.f32 v49, v4;
	_ =	swait.ge [sflag:s26], $0x400  }
0x161: {  	v19 =	vadd.f32 v53, v19;
	v3 =	vadd.f32 v59, v62;
	[sflag:s26] =	ssyncset.done $0x0  }
0x162: {  	v5 =	vadd.f32 v54, v5;
	v4 =	vadd.f32 v58, v4;
	[sflag:s26] =	ssyncadd.s32 $0xFFFFFC00  }
0x163: {  	v18 =	vadd.f32 v44, v18;
	v8 =	vadd.f32 v61, v19;
	[tilespmem:$0x16800] =	vst v3  }
0x164: {  	v44 =	vadd.f32 v63, v5;
	[tilespmem:$0x16880] =	vst v4  }
0x165: {  	v46 =	vadd.f32 v60, v18;
	[tilespmem:$0x16900] =	vst v8  }
0x166: {  	v47 =	vadd.f32 v55, v31;
	[tilespmem:$0x16980] =	vst v44  }
0x167: {  	v48 =	vadd.f32 v56, v35;
	[tilespmem:$0x16A00] =	vst v46  }
0x168: {  	v49 =	vadd.f32 v57, v39;
	[tilespmem:$0x16A80] =	vst v47  }
0x169: {  	[tilespmem:$0x16B00] =	vst v48  }
0x16a: {  	[tilespmem:$0x16B80] =	vst v49  }
0x16b: {  	v51 =	vmul.f32 v34, v38;
	[hbm4b:s10+s2] =	stream.linear.scatter [tilespmem:s25], [sflag:$0x7], $0x400, $0x38;
	[tilespmem:$0x16C00] =	vst v63  }
0x16c: {  	_ =	swait.ge [sflag:s26], $0x400  }
0x16d: {  	v3 =	vadd.f32 v51, v29;
	[sflag:s26] =	ssyncset.done $0x0  }
0x16e: {  	v52 =	vmul.f32 v41, v33;
	[sflag:s26] =	ssyncadd.s32 $0xFFFFFC00  }
0x16f: {  	v53 =	vadd.f32 v45, v24;
	v54 =	vmul.f32 v42, v40;
	[tilespmem:$0x16800] =	vst v3  }
0x170: {  	v0 =	vmul.f32 v23, v0;
	v55 =	vadd.f32 v52, v30;
	[tilespmem:$0x16880] =	vst v37  }
0x171: {  	v56 =	vadd.f32 v54, v36;
	[tilespmem:$0x16900] =	vst v53  }
0x172: {  	v0 =	vadd.f32 v0, v1;
	v57 =	vadd.f32 v32, v28;
	v58 =	vmul.f32 v50, v43;
	[tilespmem:$0x16980] =	vst v55  }
0x173: {  	[tilespmem:$0x16A00] =	vst v56  }
0x174: {  	v0 =	vadd.f32 v58, v0;
	[tilespmem:$0x16A80] =	vst v57  }
0x175: {  	[tilespmem:$0x16B00] =	vst v27  }
0x176: {  	[tilespmem:$0x16B80] =	vst v0  }
0x177: {  	[hbm4b:s11+s2] =	stream.linear.scatter [tilespmem:s25], [sflag:$0x7], $0x400, $0x38;
	[tilespmem:$0x16C00] =	vst v63  }
0x178: {  	_ =	swait.ge [sflag:s26], $0x400  }
0x179: {  	[sflag:s26] =	ssyncset.done $0x0  }
0x17a: {  	v59 =	vadd.f32 v10, v2;
	[sflag:s26] =	ssyncadd.s32 $0xFFFFFC00  }
0x17b: {  	v60 =	vadd.f32 v21, v13;
	[tilespmem:$0x16800] =	vst v25  }
0x17c: {  	v61 =	vadd.f32 v41, v6;
	[tilespmem:$0x16880] =	vst v59  }
0x17d: {  	v62 =	vadd.f32 v42, v14;
	[tilespmem:$0x16900] =	vst v60  }
0x17e: {  	[tilespmem:$0x16980] =	vst v61  }
0x17f: {  	[tilespmem:$0x16A00] =	vst v62  }
0x180: {  	s28 =	sadd.s32 $0x1, s28;
	v63 =	vadd.f32 v50, v20;
	[tilespmem:$0x16A80] =	vst v26  }
0x181: {  	p0 =	sne.s32 s28, s13;
	[tilespmem:$0x16B00] =	vst v22  }
.Ltmp6:
0x182: {  	[tilespmem:$0x16B80] =	vst v63;
	(pc) =	sbr.rel @p0 .LBB2_1-.Ltmp6, $4  }
0x183: {  	[hbm4b:s12+s2] =	stream.linear.scatter [tilespmem:s25], [sflag:$0x7], $0x400, $0x38;
	[tilespmem:$0x16C00] =	vst v63  }
0x184: {  	_ =	swait.ge [sflag:s26], $0x400  }
0x185: {  	[sflag:s26] =	ssyncset.done $0x0  }
0x186: {  	[sflag:s26] =	ssyncadd.s32 $0xFFFFFC00  }
0x187: {  	_ =	sfence.sel $0x180000  }
0x188: {  	[bflag:$0x0] =	sbarrier.arrive $0xFFFF  }
0x189: {  	_ =	strace $0x90000047  }
0x18a: {  	s0 =	stileid.u32;
	[bflag:$0x2] =	sbarrier.arrive $0xFFFF  }
0x18b: {  	p0 =	sne.s32 s0, $0x0;
	s0 =	rddreg [dreg:$0x3]  }
0x18c: {  	s0 =	sadd.s32 @!p0 $0x100000, s0  }
0x18d: {  	[sflag:s0] =	ssyncadd.tile.s32 @!p0 $0x1;
	_ =	shalt  }
.Lfunc_end2:
_tile_overlayer_lowered:
.L_overlay_start_2:
0x18e: {  	(tag) =	ssettag $0x2  }
0x18f: {  	s0 =	rddreg [dreg:$0x0];
	s2 =	stileid.u32  }
0x190: {  	s1 =	rddreg [dreg:$0x1];
	p0 =	sne.s32 s2, $0x0  }
0x191: {  	s3 =	rddreg [dreg:$0x2];
	[bflag:$0x3] =	sbarrier.arrive $0xFFFF;
	s2 =	simm.s32 @!p0 $0x1C07  }
0x192: {  	[timem:s3], [sflag:s2] =	dma.local @!p0 [hbm:s0], s1  }
0x193: {  	s0 =	simm.s32 @!p0 $0x7  }
0x194: {  	_ =	swait.ge @!p0 [sflag:s0], s1  }
0x195: {  	s1 =	ssub.s32 @!p0 $0x0, s1;
	[sflag:s0] =	ssyncset.done @!p0 $0x0  }
0x196: {  	[sflag:s0] =	ssyncadd.s32 @!p0 s1  }
0x197: {  	[bflag:$0x3] =	sbarrier.arrive $0xFFFF  }
0x198: {  	_ =	shalt  }

</sc_bundles>
